<compile_context>
chip_gen: v7x
topology: tpu7x:2x2x1
jax: 0.10.2.dev20260603
libtpu: 0.0.44.dev20260713+nightly
codegen_flags: <defaults>
</compile_context>

<pallas_src>
import functools

import jax
import jax.numpy as jnp
import numpy as np
from jax import lax
from jax.experimental import pallas as pl
from jax.experimental.pallas import tpu as pltpu
from jax.experimental.pallas import tpu_sc as plsc

MIN_DISABLED = 2
MAX_DISABLED = 8
NEIGHBOR_PROB = 0.5


def _disabled_tofs(tof_count):
    rng = np.random.default_rng(0)
    disabled_count = int(rng.integers(MIN_DISABLED, MAX_DISABLED + 1))
    initial = int(rng.integers(0, tof_count))
    disabled = [initial]
    tof_list = [int(t) for t in rng.permutation(tof_count) if int(t) != initial]
    for _ in range(disabled_count - 1):
        rv = float(rng.random())
        perm = rng.permutation(len(disabled))
        permuted = [disabled[int(j)] for j in perm]
        if rv < NEIGHBOR_PROB:
            if rv < NEIGHBOR_PROB / 2:
                for cur in permuted:
                    new_neighbor = (cur + 1) % tof_count
                    if new_neighbor not in disabled:
                        disabled.append(new_neighbor)
                        tof_list = [t for t in tof_list if t != new_neighbor]
                        break
            else:
                opposite_found = False
                for cur in permuted:
                    new_opposite = (cur + tof_count // 2) % tof_count
                    if new_opposite not in disabled:
                        disabled.append(new_opposite)
                        tof_list = [t for t in tof_list if t != new_opposite]
                        opposite_found = True
                        break
                if not opposite_found:
                    new_element = tof_list[0]
                    tof_list = [t for t in tof_list if t != new_element]
                    disabled.append(new_element)
        else:
            new_element = tof_list[0]
            tof_list = [t for t in tof_list if t != new_element]
            disabled.append(new_element)
    return tuple(sorted(int(t) for t in disabled))


ROWS, COLS = 65536, 512
NC, NS = 2, 16
NW = NC * NS
RPW = ROWS // NW
CH = 32
NBUF = 4
CHUNKS = RPW // CH
GROUPS = CHUNKS // NBUF


def _sc_body(img_hbm, out_hbm, b0, b1, b2, b3,
             si0, si1, si2, si3, so0, so1, so2, so3):
    bufs = (b0, b1, b2, b3)
    insems = (si0, si1, si2, si3)
    outsems = (so0, so1, so2, so3)
    disabled = _disabled_tofs(COLS)

    wid = lax.axis_index("s") * NC + lax.axis_index("c")
    base = wid * RPW

    def in_cp(ci, b):
        return pltpu.make_async_copy(
            img_hbm.at[pl.ds(base + ci * CH, CH), :], bufs[b], insems[b])

    def out_cp(ci, b):
        return pltpu.make_async_copy(
            bufs[b], out_hbm.at[pl.ds(base + ci * CH, CH), :], outsems[b])

    iota = lax.iota(jnp.int32, 16)
    slabs = {}
    for c in disabled:
        slabs.setdefault((c // 16) * 16, []).append(c % 16)
    slab_masks = [
        (ca, functools.reduce(lambda a, b: a | b, [iota == l for l in lanes]))
        for ca, lanes in sorted(slabs.items())
    ]

    def zero_buf(buf):
        def row_body(r, carry):
            for ca, m in slab_masks:
                buf[r, pl.ds(ca, 16)] = jnp.where(
                    m, 0.0, buf[r, pl.ds(ca, 16)])
            return carry
        lax.fori_loop(0, CH, row_body, 0)

    in_cp(0, 0).start()
    in_cp(1, 1).start()

    def group(g, carry):
        for b in range(NBUF):
            ci = g * NBUF + b
            bp2 = (b + 2) % NBUF

            @pl.when(ci >= 2)
            def _():
                out_cp(ci - 2, bp2).wait()

            @pl.when(ci + 2 < CHUNKS)
            def _():
                in_cp(ci + 2, bp2).start()

            in_cp(ci, b).wait()
            zero_buf(bufs[b])
            out_cp(ci, b).start()
        return carry

    lax.fori_loop(0, GROUPS, group, 0)
    out_cp(CHUNKS - 2, (CHUNKS - 2) % NBUF).wait()
    out_cp(CHUNKS - 1, (CHUNKS - 1) % NBUF).wait()


@jax.jit
def kernel(img):
    mesh = plsc.VectorSubcoreMesh(core_axis_name="c", subcore_axis_name="s")
    sc_k = pl.kernel(
        _sc_body,
        out_type=jax.ShapeDtypeStruct((ROWS, COLS), jnp.float32),
        mesh=mesh,
        scratch_types=(
            [pltpu.VMEM((CH, COLS), jnp.float32) for _ in range(NBUF)]
            + [pltpu.SemaphoreType.DMA for _ in range(2 * NBUF)]
        ),
    )
    return sc_k(img)

# --- scband reference (transcript-rebuilt; emitter-appended) ---
"""Pipeline reference for scband-disable-random-tofs-25494925869706 (READ-ONLY COPY).

The authoritative reference and input builder live on the scoring server;
editing this copy changes nothing except your own understanding.
"""

import jax, jax.numpy as jnp
import numpy as np

MIN_DISABLED = 2
MAX_DISABLED = 8
NEIGHBOR_PROB = 0.5


def _select_disabled_tofs(tof_count):
    # Deterministic (seeded) mirror of the torch random-selection algorithm.
    rng = np.random.default_rng(0)
    disabled_count = int(rng.integers(MIN_DISABLED, MAX_DISABLED + 1))
    initial = int(rng.integers(0, tof_count))
    disabled = [initial]
    tof_list = [int(t) for t in rng.permutation(tof_count) if int(t) != initial]
    for _ in range(disabled_count - 1):
        rv = float(rng.random())
        perm = rng.permutation(len(disabled))
        permuted = [disabled[int(j)] for j in perm]
        if rv < NEIGHBOR_PROB:
            if rv < NEIGHBOR_PROB / 2:
                for cur in permuted:
                    new_neighbor = (cur + 1) % tof_count
                    if new_neighbor not in disabled:
                        disabled.append(new_neighbor)
                        tof_list = [t for t in tof_list if t != new_neighbor]
                        break
            else:
                opposite_found = False
                for cur in permuted:
                    new_opposite = (cur + tof_count // 2) % tof_count
                    if new_opposite not in disabled:
                        disabled.append(new_opposite)
                        tof_list = [t for t in tof_list if t != new_opposite]
                        opposite_found = True
                        break
                if not opposite_found:
                    new_element = tof_list[0]
                    tof_list = [t for t in tof_list if t != new_element]
                    disabled.append(new_element)
        else:
            new_element = tof_list[0]
            tof_list = [t for t in tof_list if t != new_element]
            disabled.append(new_element)
    assert len(disabled) <= disabled_count
    assert len(set(disabled)) == disabled_count
    return np.array(disabled, dtype=np.int64)


def setup_inputs(seed: int = 0):
    key = jax.random.key(seed)
    img = jax.random.normal(key, (65536, 512), dtype=jnp.float32)
    return {"img": img}


def reference(img):
    tof_count = img.shape[-1]
    disabled = jnp.asarray(_select_disabled_tofs(tof_count))
    # img_copy = img.clone(); img_copy[:, disabled_tofs] = 0.0
    img_copy = img.at[:, disabled].set(0.0)
    return img_copy

if __name__ == "__main__":
    import jax
    _d = setup_inputs()
    print(jax.jit(kernel)(*tuple(_d.values())))

</pallas_src>

<mosaic_0001>
#map = affine_map<(d0, d1) -> (0, 0)>
module attributes {stable_mosaic.version = 14 : i64} {
  func.func @_sc_body(%arg0: i32, %arg1: i32, %arg2: memref<65536x512xf32, #tpu.memory_space<hbm>>, %arg3: memref<65536x512xf32, #tpu.memory_space<hbm>>, %arg4: memref<32x512xf32, #tpu.memory_space<vmem>>, %arg5: memref<32x512xf32, #tpu.memory_space<vmem>>, %arg6: memref<32x512xf32, #tpu.memory_space<vmem>>, %arg7: memref<32x512xf32, #tpu.memory_space<vmem>>, %arg8: memref<!tpu.dma_semaphore, #tpu.memory_space<semaphore_mem>>, %arg9: memref<!tpu.dma_semaphore, #tpu.memory_space<semaphore_mem>>, %arg10: memref<!tpu.dma_semaphore, #tpu.memory_space<semaphore_mem>>, %arg11: memref<!tpu.dma_semaphore, #tpu.memory_space<semaphore_mem>>, %arg12: memref<!tpu.dma_semaphore, #tpu.memory_space<semaphore_mem>>, %arg13: memref<!tpu.dma_semaphore, #tpu.memory_space<semaphore_mem>>, %arg14: memref<!tpu.dma_semaphore, #tpu.memory_space<semaphore_mem>>, %arg15: memref<!tpu.dma_semaphore, #tpu.memory_space<semaphore_mem>>) attributes {dimension_semantics = [#tpu.dimension_semantics<core_parallel>, #tpu.dimension_semantics<subcore_parallel>], iteration_bounds = array<i64: 2, 16>, scalar_prefetch = 0 : i64, scratch_operands = 12 : i64, tpu.core_type = #tpu.core_type<sc_vector_subcore>, window_params = [{transform_indices = #map}, {transform_indices = #map}]} {
    %mul3A = arith.constant 2 : i32
    %mul3A_0 = arith.muli %arg1, %mul3A : i32
    %add3A = arith.addi %mul3A_0, %arg0 : i32
    %mul3A_1 = arith.constant 2048 : i32
    %mul3A_2 = arith.muli %add3A, %mul3A_1 : i32
    %iota3A = tpu.iota {dimensions = array<i32: 0>} : vector<16xi32>
    %eq3A = arith.constant 8 : i32
    %eq3A_3 = vector.broadcast %eq3A : i32 to vector<16xi32>
    %eq3A_4 = arith.cmpi eq, %iota3A, %eq3A_3 : vector<16xi32>
    %eq3A_5 = arith.constant 11 : i32
    %eq3A_6 = vector.broadcast %eq3A_5 : i32 to vector<16xi32>
    %eq3A_7 = arith.cmpi eq, %iota3A, %eq3A_6 : vector<16xi32>
    %eq3A_8 = arith.constant 8 : i32
    %eq3A_9 = vector.broadcast %eq3A_8 : i32 to vector<16xi32>
    %eq3A_10 = arith.cmpi eq, %iota3A, %eq3A_9 : vector<16xi32>
    %eq3A_11 = arith.constant 9 : i32
    %eq3A_12 = vector.broadcast %eq3A_11 : i32 to vector<16xi32>
    %eq3A_13 = arith.cmpi eq, %iota3A, %eq3A_12 : vector<16xi32>
    %or3A = arith.ori %eq3A_10, %eq3A_13 : vector<16xi1>
    %eq3A_14 = arith.constant 6 : i32
    %eq3A_15 = vector.broadcast %eq3A_14 : i32 to vector<16xi32>
    %eq3A_16 = arith.cmpi eq, %iota3A, %eq3A_15 : vector<16xi32>
    %eq3A_17 = arith.constant 2 : i32
    %eq3A_18 = vector.broadcast %eq3A_17 : i32 to vector<16xi32>
    %eq3A_19 = arith.cmpi eq, %iota3A, %eq3A_18 : vector<16xi32>
    %eq3A_20 = arith.constant 11 : i32
    %eq3A_21 = vector.broadcast %eq3A_20 : i32 to vector<16xi32>
    %eq3A_22 = arith.cmpi eq, %iota3A, %eq3A_21 : vector<16xi32>
    %add3A_23 = arith.constant 0 : i32
    %add3A_24 = arith.addi %mul3A_2, %add3A_23 : i32
    %dma_start3A = arith.constant 0 : i32
    %dma_start3A_25 = tpu.memref_slice %arg2[%add3A_24, %dma_start3A] : memref<65536x512xf32, #tpu.memory_space<hbm>> -> memref<32x512xf32, #tpu.memory_space<hbm>>
    %dma_start3A_26 = arith.constant 0 : i32
    %dma_start3A_27 = tpu.memref_slice %arg2[%add3A_24, %dma_start3A_26] : memref<65536x512xf32, #tpu.memory_space<hbm>> -> memref<32x512xf32, #tpu.memory_space<hbm>>
    tpu.enqueue_dma source(%dma_start3A_27 : memref<32x512xf32, #tpu.memory_space<hbm>>) target(%arg4 : memref<32x512xf32, #tpu.memory_space<vmem>>) target_semaphore(%arg8 : memref<!tpu.dma_semaphore, #tpu.memory_space<semaphore_mem>>)
    %add3A_28 = arith.constant 32 : i32
    %add3A_29 = arith.addi %mul3A_2, %add3A_28 : i32
    %dma_start3A_30 = arith.constant 0 : i32
    %dma_start3A_31 = tpu.memref_slice %arg2[%add3A_29, %dma_start3A_30] : memref<65536x512xf32, #tpu.memory_space<hbm>> -> memref<32x512xf32, #tpu.memory_space<hbm>>
    %dma_start3A_32 = arith.constant 0 : i32
    %dma_start3A_33 = tpu.memref_slice %arg2[%add3A_29, %dma_start3A_32] : memref<65536x512xf32, #tpu.memory_space<hbm>> -> memref<32x512xf32, #tpu.memory_space<hbm>>
    tpu.enqueue_dma source(%dma_start3A_33 : memref<32x512xf32, #tpu.memory_space<hbm>>) target(%arg5 : memref<32x512xf32, #tpu.memory_space<vmem>>) target_semaphore(%arg9 : memref<!tpu.dma_semaphore, #tpu.memory_space<semaphore_mem>>)
    %scan3A = arith.constant 0 : i32
    %scan3A_34 = arith.constant 0 : i32
    %scan3A_35 = arith.constant 16 : i32
    %scan3A_36 = arith.addi %scan3A_34, %scan3A_35 : i32
    %scan3A_37 = arith.constant 1 : i32
    scf.for %scan3A_50 = %scan3A_34 to %scan3A_36 step %scan3A_37  : i32 {
      %mul3A_51 = arith.constant 4 : i32
      %mul3A_52 = arith.muli %scan3A_50, %mul3A_51 : i32
      %add3A_53 = arith.constant 0 : i32
      %add3A_54 = arith.addi %mul3A_52, %add3A_53 : i32
      %ge3A = arith.constant 2 : i32
      %ge3A_55 = arith.cmpi sge, %add3A_54, %ge3A : i32
      %convert_element_type3A = arith.extui %ge3A_55 : i1 to i32
      %cond3A = arith.constant 0 : i32
      %cond3A_56 = arith.cmpi ne, %convert_element_type3A, %cond3A : i32
      scf.if %cond3A_56 {
        %sub3A = arith.constant 2 : i32
        %sub3A_191 = arith.subi %add3A_54, %sub3A : i32
        %mul3A_192 = arith.constant 32 : i32
        %mul3A_193 = arith.muli %sub3A_191, %mul3A_192 : i32
        %add3A_194 = arith.addi %mul3A_2, %mul3A_193 : i32
        %dma_wait3A_195 = arith.constant 0 : i32
        %dma_wait3A_196 = tpu.memref_slice %arg3[%add3A_194, %dma_wait3A_195] : memref<65536x512xf32, #tpu.memory_space<hbm>> -> memref<32x512xf32, #tpu.memory_space<hbm>>
        %dma_wait3A_197 = arith.constant 0 : i32
        %dma_wait3A_198 = tpu.memref_slice %arg3[%add3A_194, %dma_wait3A_197] : memref<65536x512xf32, #tpu.memory_space<hbm>> -> memref<32x512xf32, #tpu.memory_space<hbm>>
        tpu.wait_dma2 semaphore(%arg14 : memref<!tpu.dma_semaphore, #tpu.memory_space<semaphore_mem>>) src(%arg6 : memref<32x512xf32, #tpu.memory_space<vmem>>) dst(%dma_wait3A_198 : memref<32x512xf32, #tpu.memory_space<hbm>>)
      } else {
      }
      %add3A_57 = arith.constant 2 : i32
      %add3A_58 = arith.addi %add3A_54, %add3A_57 : i32
      %lt3A = arith.constant 64 : i32
      %lt3A_59 = arith.cmpi slt, %add3A_58, %lt3A : i32
      %convert_element_type3A_60 = arith.extui %lt3A_59 : i1 to i32
      %cond3A_61 = arith.constant 0 : i32
      %cond3A_62 = arith.cmpi ne, %convert_element_type3A_60, %cond3A_61 : i32
      scf.if %cond3A_62 {
        %add3A_191 = arith.constant 2 : i32
        %add3A_192 = arith.addi %add3A_54, %add3A_191 : i32
        %mul3A_193 = arith.constant 32 : i32
        %mul3A_194 = arith.muli %add3A_192, %mul3A_193 : i32
        %add3A_195 = arith.addi %mul3A_2, %mul3A_194 : i32
        %dma_start3A_196 = arith.constant 0 : i32
        %dma_start3A_197 = tpu.memref_slice %arg2[%add3A_195, %dma_start3A_196] : memref<65536x512xf32, #tpu.memory_space<hbm>> -> memref<32x512xf32, #tpu.memory_space<hbm>>
        %dma_start3A_198 = arith.constant 0 : i32
        %dma_start3A_199 = tpu.memref_slice %arg2[%add3A_195, %dma_start3A_198] : memref<65536x512xf32, #tpu.memory_space<hbm>> -> memref<32x512xf32, #tpu.memory_space<hbm>>
        tpu.enqueue_dma source(%dma_start3A_199 : memref<32x512xf32, #tpu.memory_space<hbm>>) target(%arg6 : memref<32x512xf32, #tpu.memory_space<vmem>>) target_semaphore(%arg10 : memref<!tpu.dma_semaphore, #tpu.memory_space<semaphore_mem>>)
      } else {
      }
      %mul3A_63 = arith.constant 32 : i32
      %mul3A_64 = arith.muli %add3A_54, %mul3A_63 : i32
      %add3A_65 = arith.addi %mul3A_2, %mul3A_64 : i32
      %dma_wait3A_66 = arith.constant 0 : i32
      %dma_wait3A_67 = tpu.memref_slice %arg2[%add3A_65, %dma_wait3A_66] : memref<65536x512xf32, #tpu.memory_space<hbm>> -> memref<32x512xf32, #tpu.memory_space<hbm>>
      %dma_wait3A_68 = arith.constant 0 : i32
      %dma_wait3A_69 = tpu.memref_slice %arg2[%add3A_65, %dma_wait3A_68] : memref<65536x512xf32, #tpu.memory_space<hbm>> -> memref<32x512xf32, #tpu.memory_space<hbm>>
      tpu.wait_dma2 semaphore(%arg8 : memref<!tpu.dma_semaphore, #tpu.memory_space<semaphore_mem>>) src(%dma_wait3A_69 : memref<32x512xf32, #tpu.memory_space<hbm>>) dst(%arg4 : memref<32x512xf32, #tpu.memory_space<vmem>>)
      %scan3A_70 = arith.constant 0 : i32
      %scan3A_71 = arith.constant 0 : i32
      %scan3A_72 = arith.constant 32 : i32
      %scan3A_73 = arith.addi %scan3A_71, %scan3A_72 : i32
      %scan3A_74 = arith.constant 1 : i32
      scf.for %scan3A_191 = %scan3A_71 to %scan3A_73 step %scan3A_74  : i32 {
        %get3A = arith.index_cast %scan3A_191 : i32 to index
        %get3A_192 = arith.constant 0 : index
        %get3A_193 = tpu.vector_load %arg4[%get3A, %get3A_192] {strides = array<i32>} : memref<32x512xf32, #tpu.memory_space<vmem>>, vector<1x16xf32>,
        %get3A_194 = vector.shape_cast %get3A_193 : vector<1x16xf32> to vector<16xf32>
        %jit3A = arith.constant 0.000000e+00 : f32
        %broadcast_in_dim3A = vector.broadcast %jit3A : f32 to vector<16xf32>
        %select_n3A = arith.select %eq3A_4, %broadcast_in_dim3A, %get3A_194 : vector<16xi1>, vector<16xf32>
        %swap3A = arith.index_cast %scan3A_191 : i32 to index
        %swap3A_195 = arith.constant 0 : index
        %swap3A_196 = tpu.vector_load %arg4[%swap3A, %swap3A_195] {strides = array<i32>} : memref<32x512xf32, #tpu.memory_space<vmem>>, vector<1x16xf32>,
        %swap3A_197 = vector.shape_cast %swap3A_196 : vector<1x16xf32> to vector<16xf32>
        %swap3A_198 = vector.shape_cast %select_n3A : vector<16xf32> to vector<1x16xf32>
        tpu.vector_store %arg4[%swap3A, %swap3A_195], %swap3A_198 {strides = array<i32>} : memref<32x512xf32, #tpu.memory_space<vmem>>, vector<1x16xf32>,
        %get3A_199 = arith.index_cast %scan3A_191 : i32 to index
        %get3A_200 = arith.constant 112 : index
        %get3A_201 = tpu.vector_load %arg4[%get3A_199, %get3A_200] {strides = array<i32>} : memref<32x512xf32, #tpu.memory_space<vmem>>, vector<1x16xf32>,
        %get3A_202 = vector.shape_cast %get3A_201 : vector<1x16xf32> to vector<16xf32>
        %jit3A_203 = arith.constant 0.000000e+00 : f32
        %broadcast_in_dim3A_204 = vector.broadcast %jit3A_203 : f32 to vector<16xf32>
        %select_n3A_205 = arith.select %eq3A_7, %broadcast_in_dim3A_204, %get3A_202 : vector<16xi1>, vector<16xf32>
        %swap3A_206 = arith.index_cast %scan3A_191 : i32 to index
        %swap3A_207 = arith.constant 112 : index
        %swap3A_208 = tpu.vector_load %arg4[%swap3A_206, %swap3A_207] {strides = array<i32>} : memref<32x512xf32, #tpu.memory_space<vmem>>, vector<1x16xf32>,
        %swap3A_209 = vector.shape_cast %swap3A_208 : vector<1x16xf32> to vector<16xf32>
        %swap3A_210 = vector.shape_cast %select_n3A_205 : vector<16xf32> to vector<1x16xf32>
        tpu.vector_store %arg4[%swap3A_206, %swap3A_207], %swap3A_210 {strides = array<i32>} : memref<32x512xf32, #tpu.memory_space<vmem>>, vector<1x16xf32>,
        %get3A_211 = arith.index_cast %scan3A_191 : i32 to index
        %get3A_212 = arith.constant 256 : index
        %get3A_213 = tpu.vector_load %arg4[%get3A_211, %get3A_212] {strides = array<i32>} : memref<32x512xf32, #tpu.memory_space<vmem>>, vector<1x16xf32>,
        %get3A_214 = vector.shape_cast %get3A_213 : vector<1x16xf32> to vector<16xf32>
        %jit3A_215 = arith.constant 0.000000e+00 : f32
        %broadcast_in_dim3A_216 = vector.broadcast %jit3A_215 : f32 to vector<16xf32>
        %select_n3A_217 = arith.select %or3A, %broadcast_in_dim3A_216, %get3A_214 : vector<16xi1>, vector<16xf32>
        %swap3A_218 = arith.index_cast %scan3A_191 : i32 to index
        %swap3A_219 = arith.constant 256 : index
        %swap3A_220 = tpu.vector_load %arg4[%swap3A_218, %swap3A_219] {strides = array<i32>} : memref<32x512xf32, #tpu.memory_space<vmem>>, vector<1x16xf32>,
        %swap3A_221 = vector.shape_cast %swap3A_220 : vector<1x16xf32> to vector<16xf32>
        %swap3A_222 = vector.shape_cast %select_n3A_217 : vector<16xf32> to vector<1x16xf32>
        tpu.vector_store %arg4[%swap3A_218, %swap3A_219], %swap3A_222 {strides = array<i32>} : memref<32x512xf32, #tpu.memory_space<vmem>>, vector<1x16xf32>,
        %get3A_223 = arith.index_cast %scan3A_191 : i32 to index
        %get3A_224 = arith.constant 320 : index
        %get3A_225 = tpu.vector_load %arg4[%get3A_223, %get3A_224] {strides = array<i32>} : memref<32x512xf32, #tpu.memory_space<vmem>>, vector<1x16xf32>,
        %get3A_226 = vector.shape_cast %get3A_225 : vector<1x16xf32> to vector<16xf32>
        %jit3A_227 = arith.constant 0.000000e+00 : f32
        %broadcast_in_dim3A_228 = vector.broadcast %jit3A_227 : f32 to vector<16xf32>
        %select_n3A_229 = arith.select %eq3A_16, %broadcast_in_dim3A_228, %get3A_226 : vector<16xi1>, vector<16xf32>
        %swap3A_230 = arith.index_cast %scan3A_191 : i32 to index
        %swap3A_231 = arith.constant 320 : index
        %swap3A_232 = tpu.vector_load %arg4[%swap3A_230, %swap3A_231] {strides = array<i32>} : memref<32x512xf32, #tpu.memory_space<vmem>>, vector<1x16xf32>,
        %swap3A_233 = vector.shape_cast %swap3A_232 : vector<1x16xf32> to vector<16xf32>
        %swap3A_234 = vector.shape_cast %select_n3A_229 : vector<16xf32> to vector<1x16xf32>
        tpu.vector_store %arg4[%swap3A_230, %swap3A_231], %swap3A_234 {strides = array<i32>} : memref<32x512xf32, #tpu.memory_space<vmem>>, vector<1x16xf32>,
        %get3A_235 = arith.index_cast %scan3A_191 : i32 to index
        %get3A_236 = arith.constant 336 : index
        %get3A_237 = tpu.vector_load %arg4[%get3A_235, %get3A_236] {strides = array<i32>} : memref<32x512xf32, #tpu.memory_space<vmem>>, vector<1x16xf32>,
        %get3A_238 = vector.shape_cast %get3A_237 : vector<1x16xf32> to vector<16xf32>
        %jit3A_239 = arith.constant 0.000000e+00 : f32
        %broadcast_in_dim3A_240 = vector.broadcast %jit3A_239 : f32 to vector<16xf32>
        %select_n3A_241 = arith.select %eq3A_19, %broadcast_in_dim3A_240, %get3A_238 : vector<16xi1>, vector<16xf32>
        %swap3A_242 = arith.index_cast %scan3A_191 : i32 to index
        %swap3A_243 = arith.constant 336 : index
        %swap3A_244 = tpu.vector_load %arg4[%swap3A_242, %swap3A_243] {strides = array<i32>} : memref<32x512xf32, #tpu.memory_space<vmem>>, vector<1x16xf32>,
        %swap3A_245 = vector.shape_cast %swap3A_244 : vector<1x16xf32> to vector<16xf32>
        %swap3A_246 = vector.shape_cast %select_n3A_241 : vector<16xf32> to vector<1x16xf32>
        tpu.vector_store %arg4[%swap3A_242, %swap3A_243], %swap3A_246 {strides = array<i32>} : memref<32x512xf32, #tpu.memory_space<vmem>>, vector<1x16xf32>,
        %get3A_247 = arith.index_cast %scan3A_191 : i32 to index
        %get3A_248 = arith.constant 368 : index
        %get3A_249 = tpu.vector_load %arg4[%get3A_247, %get3A_248] {strides = array<i32>} : memref<32x512xf32, #tpu.memory_space<vmem>>, vector<1x16xf32>,
        %get3A_250 = vector.shape_cast %get3A_249 : vector<1x16xf32> to vector<16xf32>
        %jit3A_251 = arith.constant 0.000000e+00 : f32
        %broadcast_in_dim3A_252 = vector.broadcast %jit3A_251 : f32 to vector<16xf32>
        %select_n3A_253 = arith.select %eq3A_22, %broadcast_in_dim3A_252, %get3A_250 : vector<16xi1>, vector<16xf32>
        %swap3A_254 = arith.index_cast %scan3A_191 : i32 to index
        %swap3A_255 = arith.constant 368 : index
        %swap3A_256 = tpu.vector_load %arg4[%swap3A_254, %swap3A_255] {strides = array<i32>} : memref<32x512xf32, #tpu.memory_space<vmem>>, vector<1x16xf32>,
        %swap3A_257 = vector.shape_cast %swap3A_256 : vector<1x16xf32> to vector<16xf32>
        %swap3A_258 = vector.shape_cast %select_n3A_253 : vector<16xf32> to vector<1x16xf32>
        tpu.vector_store %arg4[%swap3A_254, %swap3A_255], %swap3A_258 {strides = array<i32>} : memref<32x512xf32, #tpu.memory_space<vmem>>, vector<1x16xf32>,
      }
      %scan3A_75 = arith.constant 32 : i32
      %mul3A_76 = arith.constant 32 : i32
      %mul3A_77 = arith.muli %add3A_54, %mul3A_76 : i32
      %add3A_78 = arith.addi %mul3A_2, %mul3A_77 : i32
      %dma_start3A_79 = arith.constant 0 : i32
      %dma_start3A_80 = tpu.memref_slice %arg3[%add3A_78, %dma_start3A_79] : memref<65536x512xf32, #tpu.memory_space<hbm>> -> memref<32x512xf32, #tpu.memory_space<hbm>>
      %dma_start3A_81 = arith.constant 0 : i32
      %dma_start3A_82 = tpu.memref_slice %arg3[%add3A_78, %dma_start3A_81] : memref<65536x512xf32, #tpu.memory_space<hbm>> -> memref<32x512xf32, #tpu.memory_space<hbm>>
      tpu.enqueue_dma source(%arg4 : memref<32x512xf32, #tpu.memory_space<vmem>>) target(%dma_start3A_82 : memref<32x512xf32, #tpu.memory_space<hbm>>) target_semaphore(%arg12 : memref<!tpu.dma_semaphore, #tpu.memory_space<semaphore_mem>>)
      %mul3A_83 = arith.constant 4 : i32
      %mul3A_84 = arith.muli %scan3A_50, %mul3A_83 : i32
      %add3A_85 = arith.constant 1 : i32
      %add3A_86 = arith.addi %mul3A_84, %add3A_85 : i32
      %ge3A_87 = arith.constant 2 : i32
      %ge3A_88 = arith.cmpi sge, %add3A_86, %ge3A_87 : i32
      %convert_element_type3A_89 = arith.extui %ge3A_88 : i1 to i32
      %cond3A_90 = arith.constant 0 : i32
      %cond3A_91 = arith.cmpi ne, %convert_element_type3A_89, %cond3A_90 : i32
      scf.if %cond3A_91 {
        %sub3A = arith.constant 2 : i32
        %sub3A_191 = arith.subi %add3A_86, %sub3A : i32
        %mul3A_192 = arith.constant 32 : i32
        %mul3A_193 = arith.muli %sub3A_191, %mul3A_192 : i32
        %add3A_194 = arith.addi %mul3A_2, %mul3A_193 : i32
        %dma_wait3A_195 = arith.constant 0 : i32
        %dma_wait3A_196 = tpu.memref_slice %arg3[%add3A_194, %dma_wait3A_195] : memref<65536x512xf32, #tpu.memory_space<hbm>> -> memref<32x512xf32, #tpu.memory_space<hbm>>
        %dma_wait3A_197 = arith.constant 0 : i32
        %dma_wait3A_198 = tpu.memref_slice %arg3[%add3A_194, %dma_wait3A_197] : memref<65536x512xf32, #tpu.memory_space<hbm>> -> memref<32x512xf32, #tpu.memory_space<hbm>>
        tpu.wait_dma2 semaphore(%arg15 : memref<!tpu.dma_semaphore, #tpu.memory_space<semaphore_mem>>) src(%arg7 : memref<32x512xf32, #tpu.memory_space<vmem>>) dst(%dma_wait3A_198 : memref<32x512xf32, #tpu.memory_space<hbm>>)
      } else {
      }
      %add3A_92 = arith.constant 2 : i32
      %add3A_93 = arith.addi %add3A_86, %add3A_92 : i32
      %lt3A_94 = arith.constant 64 : i32
      %lt3A_95 = arith.cmpi slt, %add3A_93, %lt3A_94 : i32
      %convert_element_type3A_96 = arith.extui %lt3A_95 : i1 to i32
      %cond3A_97 = arith.constant 0 : i32
      %cond3A_98 = arith.cmpi ne, %convert_element_type3A_96, %cond3A_97 : i32
      scf.if %cond3A_98 {
        %add3A_191 = arith.constant 2 : i32
        %add3A_192 = arith.addi %add3A_86, %add3A_191 : i32
        %mul3A_193 = arith.constant 32 : i32
        %mul3A_194 = arith.muli %add3A_192, %mul3A_193 : i32
        %add3A_195 = arith.addi %mul3A_2, %mul3A_194 : i32
        %dma_start3A_196 = arith.constant 0 : i32
        %dma_start3A_197 = tpu.memref_slice %arg2[%add3A_195, %dma_start3A_196] : memref<65536x512xf32, #tpu.memory_space<hbm>> -> memref<32x512xf32, #tpu.memory_space<hbm>>
        %dma_start3A_198 = arith.constant 0 : i32
        %dma_start3A_199 = tpu.memref_slice %arg2[%add3A_195, %dma_start3A_198] : memref<65536x512xf32, #tpu.memory_space<hbm>> -> memref<32x512xf32, #tpu.memory_space<hbm>>
        tpu.enqueue_dma source(%dma_start3A_199 : memref<32x512xf32, #tpu.memory_space<hbm>>) target(%arg7 : memref<32x512xf32, #tpu.memory_space<vmem>>) target_semaphore(%arg11 : memref<!tpu.dma_semaphore, #tpu.memory_space<semaphore_mem>>)
      } else {
      }
      %mul3A_99 = arith.constant 32 : i32
      %mul3A_100 = arith.muli %add3A_86, %mul3A_99 : i32
      %add3A_101 = arith.addi %mul3A_2, %mul3A_100 : i32
      %dma_wait3A_102 = arith.constant 0 : i32
      %dma_wait3A_103 = tpu.memref_slice %arg2[%add3A_101, %dma_wait3A_102] : memref<65536x512xf32, #tpu.memory_space<hbm>> -> memref<32x512xf32, #tpu.memory_space<hbm>>
      %dma_wait3A_104 = arith.constant 0 : i32
      %dma_wait3A_105 = tpu.memref_slice %arg2[%add3A_101, %dma_wait3A_104] : memref<65536x512xf32, #tpu.memory_space<hbm>> -> memref<32x512xf32, #tpu.memory_space<hbm>>
      tpu.wait_dma2 semaphore(%arg9 : memref<!tpu.dma_semaphore, #tpu.memory_space<semaphore_mem>>) src(%dma_wait3A_105 : memref<32x512xf32, #tpu.memory_space<hbm>>) dst(%arg5 : memref<32x512xf32, #tpu.memory_space<vmem>>)
      %scan3A_106 = arith.constant 0 : i32
      %scan3A_107 = arith.constant 0 : i32
      %scan3A_108 = arith.constant 32 : i32
      %scan3A_109 = arith.addi %scan3A_107, %scan3A_108 : i32
      %scan3A_110 = arith.constant 1 : i32
      scf.for %scan3A_191 = %scan3A_107 to %scan3A_109 step %scan3A_110  : i32 {
        %get3A = arith.index_cast %scan3A_191 : i32 to index
        %get3A_192 = arith.constant 0 : index
        %get3A_193 = tpu.vector_load %arg5[%get3A, %get3A_192] {strides = array<i32>} : memref<32x512xf32, #tpu.memory_space<vmem>>, vector<1x16xf32>,
        %get3A_194 = vector.shape_cast %get3A_193 : vector<1x16xf32> to vector<16xf32>
        %jit3A = arith.constant 0.000000e+00 : f32
        %broadcast_in_dim3A = vector.broadcast %jit3A : f32 to vector<16xf32>
        %select_n3A = arith.select %eq3A_4, %broadcast_in_dim3A, %get3A_194 : vector<16xi1>, vector<16xf32>
        %swap3A = arith.index_cast %scan3A_191 : i32 to index
        %swap3A_195 = arith.constant 0 : index
        %swap3A_196 = tpu.vector_load %arg5[%swap3A, %swap3A_195] {strides = array<i32>} : memref<32x512xf32, #tpu.memory_space<vmem>>, vector<1x16xf32>,
        %swap3A_197 = vector.shape_cast %swap3A_196 : vector<1x16xf32> to vector<16xf32>
        %swap3A_198 = vector.shape_cast %select_n3A : vector<16xf32> to vector<1x16xf32>
        tpu.vector_store %arg5[%swap3A, %swap3A_195], %swap3A_198 {strides = array<i32>} : memref<32x512xf32, #tpu.memory_space<vmem>>, vector<1x16xf32>,
        %get3A_199 = arith.index_cast %scan3A_191 : i32 to index
        %get3A_200 = arith.constant 112 : index
        %get3A_201 = tpu.vector_load %arg5[%get3A_199, %get3A_200] {strides = array<i32>} : memref<32x512xf32, #tpu.memory_space<vmem>>, vector<1x16xf32>,
        %get3A_202 = vector.shape_cast %get3A_201 : vector<1x16xf32> to vector<16xf32>
        %jit3A_203 = arith.constant 0.000000e+00 : f32
        %broadcast_in_dim3A_204 = vector.broadcast %jit3A_203 : f32 to vector<16xf32>
        %select_n3A_205 = arith.select %eq3A_7, %broadcast_in_dim3A_204, %get3A_202 : vector<16xi1>, vector<16xf32>
        %swap3A_206 = arith.index_cast %scan3A_191 : i32 to index
        %swap3A_207 = arith.constant 112 : index
        %swap3A_208 = tpu.vector_load %arg5[%swap3A_206, %swap3A_207] {strides = array<i32>} : memref<32x512xf32, #tpu.memory_space<vmem>>, vector<1x16xf32>,
        %swap3A_209 = vector.shape_cast %swap3A_208 : vector<1x16xf32> to vector<16xf32>
        %swap3A_210 = vector.shape_cast %select_n3A_205 : vector<16xf32> to vector<1x16xf32>
        tpu.vector_store %arg5[%swap3A_206, %swap3A_207], %swap3A_210 {strides = array<i32>} : memref<32x512xf32, #tpu.memory_space<vmem>>, vector<1x16xf32>,
        %get3A_211 = arith.index_cast %scan3A_191 : i32 to index
        %get3A_212 = arith.constant 256 : index
        %get3A_213 = tpu.vector_load %arg5[%get3A_211, %get3A_212] {strides = array<i32>} : memref<32x512xf32, #tpu.memory_space<vmem>>, vector<1x16xf32>,
        %get3A_214 = vector.shape_cast %get3A_213 : vector<1x16xf32> to vector<16xf32>
        %jit3A_215 = arith.constant 0.000000e+00 : f32
        %broadcast_in_dim3A_216 = vector.broadcast %jit3A_215 : f32 to vector<16xf32>
        %select_n3A_217 = arith.select %or3A, %broadcast_in_dim3A_216, %get3A_214 : vector<16xi1>, vector<16xf32>
        %swap3A_218 = arith.index_cast %scan3A_191 : i32 to index
        %swap3A_219 = arith.constant 256 : index
        %swap3A_220 = tpu.vector_load %arg5[%swap3A_218, %swap3A_219] {strides = array<i32>} : memref<32x512xf32, #tpu.memory_space<vmem>>, vector<1x16xf32>,
        %swap3A_221 = vector.shape_cast %swap3A_220 : vector<1x16xf32> to vector<16xf32>
        %swap3A_222 = vector.shape_cast %select_n3A_217 : vector<16xf32> to vector<1x16xf32>
        tpu.vector_store %arg5[%swap3A_218, %swap3A_219], %swap3A_222 {strides = array<i32>} : memref<32x512xf32, #tpu.memory_space<vmem>>, vector<1x16xf32>,
        %get3A_223 = arith.index_cast %scan3A_191 : i32 to index
        %get3A_224 = arith.constant 320 : index
        %get3A_225 = tpu.vector_load %arg5[%get3A_223, %get3A_224] {strides = array<i32>} : memref<32x512xf32, #tpu.memory_space<vmem>>, vector<1x16xf32>,
        %get3A_226 = vector.shape_cast %get3A_225 : vector<1x16xf32> to vector<16xf32>
        %jit3A_227 = arith.constant 0.000000e+00 : f32
        %broadcast_in_dim3A_228 = vector.broadcast %jit3A_227 : f32 to vector<16xf32>
        %select_n3A_229 = arith.select %eq3A_16, %broadcast_in_dim3A_228, %get3A_226 : vector<16xi1>, vector<16xf32>
        %swap3A_230 = arith.index_cast %scan3A_191 : i32 to index
        %swap3A_231 = arith.constant 320 : index
        %swap3A_232 = tpu.vector_load %arg5[%swap3A_230, %swap3A_231] {strides = array<i32>} : memref<32x512xf32, #tpu.memory_space<vmem>>, vector<1x16xf32>,
        %swap3A_233 = vector.shape_cast %swap3A_232 : vector<1x16xf32> to vector<16xf32>
        %swap3A_234 = vector.shape_cast %select_n3A_229 : vector<16xf32> to vector<1x16xf32>
        tpu.vector_store %arg5[%swap3A_230, %swap3A_231], %swap3A_234 {strides = array<i32>} : memref<32x512xf32, #tpu.memory_space<vmem>>, vector<1x16xf32>,
        %get3A_235 = arith.index_cast %scan3A_191 : i32 to index
        %get3A_236 = arith.constant 336 : index
        %get3A_237 = tpu.vector_load %arg5[%get3A_235, %get3A_236] {strides = array<i32>} : memref<32x512xf32, #tpu.memory_space<vmem>>, vector<1x16xf32>,
        %get3A_238 = vector.shape_cast %get3A_237 : vector<1x16xf32> to vector<16xf32>
        %jit3A_239 = arith.constant 0.000000e+00 : f32
        %broadcast_in_dim3A_240 = vector.broadcast %jit3A_239 : f32 to vector<16xf32>
        %select_n3A_241 = arith.select %eq3A_19, %broadcast_in_dim3A_240, %get3A_238 : vector<16xi1>, vector<16xf32>
        %swap3A_242 = arith.index_cast %scan3A_191 : i32 to index
        %swap3A_243 = arith.constant 336 : index
        %swap3A_244 = tpu.vector_load %arg5[%swap3A_242, %swap3A_243] {strides = array<i32>} : memref<32x512xf32, #tpu.memory_space<vmem>>, vector<1x16xf32>,
        %swap3A_245 = vector.shape_cast %swap3A_244 : vector<1x16xf32> to vector<16xf32>
        %swap3A_246 = vector.shape_cast %select_n3A_241 : vector<16xf32> to vector<1x16xf32>
        tpu.vector_store %arg5[%swap3A_242, %swap3A_243], %swap3A_246 {strides = array<i32>} : memref<32x512xf32, #tpu.memory_space<vmem>>, vector<1x16xf32>,
        %get3A_247 = arith.index_cast %scan3A_191 : i32 to index
        %get3A_248 = arith.constant 368 : index
        %get3A_249 = tpu.vector_load %arg5[%get3A_247, %get3A_248] {strides = array<i32>} : memref<32x512xf32, #tpu.memory_space<vmem>>, vector<1x16xf32>,
        %get3A_250 = vector.shape_cast %get3A_249 : vector<1x16xf32> to vector<16xf32>
        %jit3A_251 = arith.constant 0.000000e+00 : f32
        %broadcast_in_dim3A_252 = vector.broadcast %jit3A_251 : f32 to vector<16xf32>
        %select_n3A_253 = arith.select %eq3A_22, %broadcast_in_dim3A_252, %get3A_250 : vector<16xi1>, vector<16xf32>
        %swap3A_254 = arith.index_cast %scan3A_191 : i32 to index
        %swap3A_255 = arith.constant 368 : index
        %swap3A_256 = tpu.vector_load %arg5[%swap3A_254, %swap3A_255] {strides = array<i32>} : memref<32x512xf32, #tpu.memory_space<vmem>>, vector<1x16xf32>,
        %swap3A_257 = vector.shape_cast %swap3A_256 : vector<1x16xf32> to vector<16xf32>
        %swap3A_258 = vector.shape_cast %select_n3A_253 : vector<16xf32> to vector<1x16xf32>
        tpu.vector_store %arg5[%swap3A_254, %swap3A_255], %swap3A_258 {strides = array<i32>} : memref<32x512xf32, #tpu.memory_space<vmem>>, vector<1x16xf32>,
      }
      %scan3A_111 = arith.constant 32 : i32
      %mul3A_112 = arith.constant 32 : i32
      %mul3A_113 = arith.muli %add3A_86, %mul3A_112 : i32
      %add3A_114 = arith.addi %mul3A_2, %mul3A_113 : i32
      %dma_start3A_115 = arith.constant 0 : i32
      %dma_start3A_116 = tpu.memref_slice %arg3[%add3A_114, %dma_start3A_115] : memref<65536x512xf32, #tpu.memory_space<hbm>> -> memref<32x512xf32, #tpu.memory_space<hbm>>
      %dma_start3A_117 = arith.constant 0 : i32
      %dma_start3A_118 = tpu.memref_slice %arg3[%add3A_114, %dma_start3A_117] : memref<65536x512xf32, #tpu.memory_space<hbm>> -> memref<32x512xf32, #tpu.memory_space<hbm>>
      tpu.enqueue_dma source(%arg5 : memref<32x512xf32, #tpu.memory_space<vmem>>) target(%dma_start3A_118 : memref<32x512xf32, #tpu.memory_space<hbm>>) target_semaphore(%arg13 : memref<!tpu.dma_semaphore, #tpu.memory_space<semaphore_mem>>)
      %mul3A_119 = arith.constant 4 : i32
      %mul3A_120 = arith.muli %scan3A_50, %mul3A_119 : i32
      %add3A_121 = arith.constant 2 : i32
      %add3A_122 = arith.addi %mul3A_120, %add3A_121 : i32
      %ge3A_123 = arith.constant 2 : i32
      %ge3A_124 = arith.cmpi sge, %add3A_122, %ge3A_123 : i32
      %convert_element_type3A_125 = arith.extui %ge3A_124 : i1 to i32
      %cond3A_126 = arith.constant 0 : i32
      %cond3A_127 = arith.cmpi ne, %convert_element_type3A_125, %cond3A_126 : i32
      scf.if %cond3A_127 {
        %sub3A = arith.constant 2 : i32
        %sub3A_191 = arith.subi %add3A_122, %sub3A : i32
        %mul3A_192 = arith.constant 32 : i32
        %mul3A_193 = arith.muli %sub3A_191, %mul3A_192 : i32
        %add3A_194 = arith.addi %mul3A_2, %mul3A_193 : i32
        %dma_wait3A_195 = arith.constant 0 : i32
        %dma_wait3A_196 = tpu.memref_slice %arg3[%add3A_194, %dma_wait3A_195] : memref<65536x512xf32, #tpu.memory_space<hbm>> -> memref<32x512xf32, #tpu.memory_space<hbm>>
        %dma_wait3A_197 = arith.constant 0 : i32
        %dma_wait3A_198 = tpu.memref_slice %arg3[%add3A_194, %dma_wait3A_197] : memref<65536x512xf32, #tpu.memory_space<hbm>> -> memref<32x512xf32, #tpu.memory_space<hbm>>
        tpu.wait_dma2 semaphore(%arg12 : memref<!tpu.dma_semaphore, #tpu.memory_space<semaphore_mem>>) src(%arg4 : memref<32x512xf32, #tpu.memory_space<vmem>>) dst(%dma_wait3A_198 : memref<32x512xf32, #tpu.memory_space<hbm>>)
      } else {
      }
      %add3A_128 = arith.constant 2 : i32
      %add3A_129 = arith.addi %add3A_122, %add3A_128 : i32
      %lt3A_130 = arith.constant 64 : i32
      %lt3A_131 = arith.cmpi slt, %add3A_129, %lt3A_130 : i32
      %convert_element_type3A_132 = arith.extui %lt3A_131 : i1 to i32
      %cond3A_133 = arith.constant 0 : i32
      %cond3A_134 = arith.cmpi ne, %convert_element_type3A_132, %cond3A_133 : i32
      scf.if %cond3A_134 {
        %add3A_191 = arith.constant 2 : i32
        %add3A_192 = arith.addi %add3A_122, %add3A_191 : i32
        %mul3A_193 = arith.constant 32 : i32
        %mul3A_194 = arith.muli %add3A_192, %mul3A_193 : i32
        %add3A_195 = arith.addi %mul3A_2, %mul3A_194 : i32
        %dma_start3A_196 = arith.constant 0 : i32
        %dma_start3A_197 = tpu.memref_slice %arg2[%add3A_195, %dma_start3A_196] : memref<65536x512xf32, #tpu.memory_space<hbm>> -> memref<32x512xf32, #tpu.memory_space<hbm>>
        %dma_start3A_198 = arith.constant 0 : i32
        %dma_start3A_199 = tpu.memref_slice %arg2[%add3A_195, %dma_start3A_198] : memref<65536x512xf32, #tpu.memory_space<hbm>> -> memref<32x512xf32, #tpu.memory_space<hbm>>
        tpu.enqueue_dma source(%dma_start3A_199 : memref<32x512xf32, #tpu.memory_space<hbm>>) target(%arg4 : memref<32x512xf32, #tpu.memory_space<vmem>>) target_semaphore(%arg8 : memref<!tpu.dma_semaphore, #tpu.memory_space<semaphore_mem>>)
      } else {
      }
      %mul3A_135 = arith.constant 32 : i32
      %mul3A_136 = arith.muli %add3A_122, %mul3A_135 : i32
      %add3A_137 = arith.addi %mul3A_2, %mul3A_136 : i32
      %dma_wait3A_138 = arith.constant 0 : i32
      %dma_wait3A_139 = tpu.memref_slice %arg2[%add3A_137, %dma_wait3A_138] : memref<65536x512xf32, #tpu.memory_space<hbm>> -> memref<32x512xf32, #tpu.memory_space<hbm>>
      %dma_wait3A_140 = arith.constant 0 : i32
      %dma_wait3A_141 = tpu.memref_slice %arg2[%add3A_137, %dma_wait3A_140] : memref<65536x512xf32, #tpu.memory_space<hbm>> -> memref<32x512xf32, #tpu.memory_space<hbm>>
      tpu.wait_dma2 semaphore(%arg10 : memref<!tpu.dma_semaphore, #tpu.memory_space<semaphore_mem>>) src(%dma_wait3A_141 : memref<32x512xf32, #tpu.memory_space<hbm>>) dst(%arg6 : memref<32x512xf32, #tpu.memory_space<vmem>>)
      %scan3A_142 = arith.constant 0 : i32
      %scan3A_143 = arith.constant 0 : i32
      %scan3A_144 = arith.constant 32 : i32
      %scan3A_145 = arith.addi %scan3A_143, %scan3A_144 : i32
      %scan3A_146 = arith.constant 1 : i32
      scf.for %scan3A_191 = %scan3A_143 to %scan3A_145 step %scan3A_146  : i32 {
        %get3A = arith.index_cast %scan3A_191 : i32 to index
        %get3A_192 = arith.constant 0 : index
        %get3A_193 = tpu.vector_load %arg6[%get3A, %get3A_192] {strides = array<i32>} : memref<32x512xf32, #tpu.memory_space<vmem>>, vector<1x16xf32>,
        %get3A_194 = vector.shape_cast %get3A_193 : vector<1x16xf32> to vector<16xf32>
        %jit3A = arith.constant 0.000000e+00 : f32
        %broadcast_in_dim3A = vector.broadcast %jit3A : f32 to vector<16xf32>
        %select_n3A = arith.select %eq3A_4, %broadcast_in_dim3A, %get3A_194 : vector<16xi1>, vector<16xf32>
        %swap3A = arith.index_cast %scan3A_191 : i32 to index
        %swap3A_195 = arith.constant 0 : index
        %swap3A_196 = tpu.vector_load %arg6[%swap3A, %swap3A_195] {strides = array<i32>} : memref<32x512xf32, #tpu.memory_space<vmem>>, vector<1x16xf32>,
        %swap3A_197 = vector.shape_cast %swap3A_196 : vector<1x16xf32> to vector<16xf32>
        %swap3A_198 = vector.shape_cast %select_n3A : vector<16xf32> to vector<1x16xf32>
        tpu.vector_store %arg6[%swap3A, %swap3A_195], %swap3A_198 {strides = array<i32>} : memref<32x512xf32, #tpu.memory_space<vmem>>, vector<1x16xf32>,
        %get3A_199 = arith.index_cast %scan3A_191 : i32 to index
        %get3A_200 = arith.constant 112 : index
        %get3A_201 = tpu.vector_load %arg6[%get3A_199, %get3A_200] {strides = array<i32>} : memref<32x512xf32, #tpu.memory_space<vmem>>, vector<1x16xf32>,
        %get3A_202 = vector.shape_cast %get3A_201 : vector<1x16xf32> to vector<16xf32>
        %jit3A_203 = arith.constant 0.000000e+00 : f32
        %broadcast_in_dim3A_204 = vector.broadcast %jit3A_203 : f32 to vector<16xf32>
        %select_n3A_205 = arith.select %eq3A_7, %broadcast_in_dim3A_204, %get3A_202 : vector<16xi1>, vector<16xf32>
        %swap3A_206 = arith.index_cast %scan3A_191 : i32 to index
        %swap3A_207 = arith.constant 112 : index
        %swap3A_208 = tpu.vector_load %arg6[%swap3A_206, %swap3A_207] {strides = array<i32>} : memref<32x512xf32, #tpu.memory_space<vmem>>, vector<1x16xf32>,
        %swap3A_209 = vector.shape_cast %swap3A_208 : vector<1x16xf32> to vector<16xf32>
        %swap3A_210 = vector.shape_cast %select_n3A_205 : vector<16xf32> to vector<1x16xf32>
        tpu.vector_store %arg6[%swap3A_206, %swap3A_207], %swap3A_210 {strides = array<i32>} : memref<32x512xf32, #tpu.memory_space<vmem>>, vector<1x16xf32>,
        %get3A_211 = arith.index_cast %scan3A_191 : i32 to index
        %get3A_212 = arith.constant 256 : index
        %get3A_213 = tpu.vector_load %arg6[%get3A_211, %get3A_212] {strides = array<i32>} : memref<32x512xf32, #tpu.memory_space<vmem>>, vector<1x16xf32>,
        %get3A_214 = vector.shape_cast %get3A_213 : vector<1x16xf32> to vector<16xf32>
        %jit3A_215 = arith.constant 0.000000e+00 : f32
        %broadcast_in_dim3A_216 = vector.broadcast %jit3A_215 : f32 to vector<16xf32>
        %select_n3A_217 = arith.select %or3A, %broadcast_in_dim3A_216, %get3A_214 : vector<16xi1>, vector<16xf32>
        %swap3A_218 = arith.index_cast %scan3A_191 : i32 to index
        %swap3A_219 = arith.constant 256 : index
        %swap3A_220 = tpu.vector_load %arg6[%swap3A_218, %swap3A_219] {strides = array<i32>} : memref<32x512xf32, #tpu.memory_space<vmem>>, vector<1x16xf32>,
        %swap3A_221 = vector.shape_cast %swap3A_220 : vector<1x16xf32> to vector<16xf32>
        %swap3A_222 = vector.shape_cast %select_n3A_217 : vector<16xf32> to vector<1x16xf32>
        tpu.vector_store %arg6[%swap3A_218, %swap3A_219], %swap3A_222 {strides = array<i32>} : memref<32x512xf32, #tpu.memory_space<vmem>>, vector<1x16xf32>,
        %get3A_223 = arith.index_cast %scan3A_191 : i32 to index
        %get3A_224 = arith.constant 320 : index
        %get3A_225 = tpu.vector_load %arg6[%get3A_223, %get3A_224] {strides = array<i32>} : memref<32x512xf32, #tpu.memory_space<vmem>>, vector<1x16xf32>,
        %get3A_226 = vector.shape_cast %get3A_225 : vector<1x16xf32> to vector<16xf32>
        %jit3A_227 = arith.constant 0.000000e+00 : f32
        %broadcast_in_dim3A_228 = vector.broadcast %jit3A_227 : f32 to vector<16xf32>
        %select_n3A_229 = arith.select %eq3A_16, %broadcast_in_dim3A_228, %get3A_226 : vector<16xi1>, vector<16xf32>
        %swap3A_230 = arith.index_cast %scan3A_191 : i32 to index
        %swap3A_231 = arith.constant 320 : index
        %swap3A_232 = tpu.vector_load %arg6[%swap3A_230, %swap3A_231] {strides = array<i32>} : memref<32x512xf32, #tpu.memory_space<vmem>>, vector<1x16xf32>,
        %swap3A_233 = vector.shape_cast %swap3A_232 : vector<1x16xf32> to vector<16xf32>
        %swap3A_234 = vector.shape_cast %select_n3A_229 : vector<16xf32> to vector<1x16xf32>
        tpu.vector_store %arg6[%swap3A_230, %swap3A_231], %swap3A_234 {strides = array<i32>} : memref<32x512xf32, #tpu.memory_space<vmem>>, vector<1x16xf32>,
        %get3A_235 = arith.index_cast %scan3A_191 : i32 to index
        %get3A_236 = arith.constant 336 : index
        %get3A_237 = tpu.vector_load %arg6[%get3A_235, %get3A_236] {strides = array<i32>} : memref<32x512xf32, #tpu.memory_space<vmem>>, vector<1x16xf32>,
        %get3A_238 = vector.shape_cast %get3A_237 : vector<1x16xf32> to vector<16xf32>
        %jit3A_239 = arith.constant 0.000000e+00 : f32
        %broadcast_in_dim3A_240 = vector.broadcast %jit3A_239 : f32 to vector<16xf32>
        %select_n3A_241 = arith.select %eq3A_19, %broadcast_in_dim3A_240, %get3A_238 : vector<16xi1>, vector<16xf32>
        %swap3A_242 = arith.index_cast %scan3A_191 : i32 to index
        %swap3A_243 = arith.constant 336 : index
        %swap3A_244 = tpu.vector_load %arg6[%swap3A_242, %swap3A_243] {strides = array<i32>} : memref<32x512xf32, #tpu.memory_space<vmem>>, vector<1x16xf32>,
        %swap3A_245 = vector.shape_cast %swap3A_244 : vector<1x16xf32> to vector<16xf32>
        %swap3A_246 = vector.shape_cast %select_n3A_241 : vector<16xf32> to vector<1x16xf32>
        tpu.vector_store %arg6[%swap3A_242, %swap3A_243], %swap3A_246 {strides = array<i32>} : memref<32x512xf32, #tpu.memory_space<vmem>>, vector<1x16xf32>,
        %get3A_247 = arith.index_cast %scan3A_191 : i32 to index
        %get3A_248 = arith.constant 368 : index
        %get3A_249 = tpu.vector_load %arg6[%get3A_247, %get3A_248] {strides = array<i32>} : memref<32x512xf32, #tpu.memory_space<vmem>>, vector<1x16xf32>,
        %get3A_250 = vector.shape_cast %get3A_249 : vector<1x16xf32> to vector<16xf32>
        %jit3A_251 = arith.constant 0.000000e+00 : f32
        %broadcast_in_dim3A_252 = vector.broadcast %jit3A_251 : f32 to vector<16xf32>
        %select_n3A_253 = arith.select %eq3A_22, %broadcast_in_dim3A_252, %get3A_250 : vector<16xi1>, vector<16xf32>
        %swap3A_254 = arith.index_cast %scan3A_191 : i32 to index
        %swap3A_255 = arith.constant 368 : index
        %swap3A_256 = tpu.vector_load %arg6[%swap3A_254, %swap3A_255] {strides = array<i32>} : memref<32x512xf32, #tpu.memory_space<vmem>>, vector<1x16xf32>,
        %swap3A_257 = vector.shape_cast %swap3A_256 : vector<1x16xf32> to vector<16xf32>
        %swap3A_258 = vector.shape_cast %select_n3A_253 : vector<16xf32> to vector<1x16xf32>
        tpu.vector_store %arg6[%swap3A_254, %swap3A_255], %swap3A_258 {strides = array<i32>} : memref<32x512xf32, #tpu.memory_space<vmem>>, vector<1x16xf32>,
      }
      %scan3A_147 = arith.constant 32 : i32
      %mul3A_148 = arith.constant 32 : i32
      %mul3A_149 = arith.muli %add3A_122, %mul3A_148 : i32
      %add3A_150 = arith.addi %mul3A_2, %mul3A_149 : i32
      %dma_start3A_151 = arith.constant 0 : i32
      %dma_start3A_152 = tpu.memref_slice %arg3[%add3A_150, %dma_start3A_151] : memref<65536x512xf32, #tpu.memory_space<hbm>> -> memref<32x512xf32, #tpu.memory_space<hbm>>
      %dma_start3A_153 = arith.constant 0 : i32
      %dma_start3A_154 = tpu.memref_slice %arg3[%add3A_150, %dma_start3A_153] : memref<65536x512xf32, #tpu.memory_space<hbm>> -> memref<32x512xf32, #tpu.memory_space<hbm>>
      tpu.enqueue_dma source(%arg6 : memref<32x512xf32, #tpu.memory_space<vmem>>) target(%dma_start3A_154 : memref<32x512xf32, #tpu.memory_space<hbm>>) target_semaphore(%arg14 : memref<!tpu.dma_semaphore, #tpu.memory_space<semaphore_mem>>)
      %mul3A_155 = arith.constant 4 : i32
      %mul3A_156 = arith.muli %scan3A_50, %mul3A_155 : i32
      %add3A_157 = arith.constant 3 : i32
      %add3A_158 = arith.addi %mul3A_156, %add3A_157 : i32
      %ge3A_159 = arith.constant 2 : i32
      %ge3A_160 = arith.cmpi sge, %add3A_158, %ge3A_159 : i32
      %convert_element_type3A_161 = arith.extui %ge3A_160 : i1 to i32
      %cond3A_162 = arith.constant 0 : i32
      %cond3A_163 = arith.cmpi ne, %convert_element_type3A_161, %cond3A_162 : i32
      scf.if %cond3A_163 {
        %sub3A = arith.constant 2 : i32
        %sub3A_191 = arith.subi %add3A_158, %sub3A : i32
        %mul3A_192 = arith.constant 32 : i32
        %mul3A_193 = arith.muli %sub3A_191, %mul3A_192 : i32
        %add3A_194 = arith.addi %mul3A_2, %mul3A_193 : i32
        %dma_wait3A_195 = arith.constant 0 : i32
        %dma_wait3A_196 = tpu.memref_slice %arg3[%add3A_194, %dma_wait3A_195] : memref<65536x512xf32, #tpu.memory_space<hbm>> -> memref<32x512xf32, #tpu.memory_space<hbm>>
        %dma_wait3A_197 = arith.constant 0 : i32
        %dma_wait3A_198 = tpu.memref_slice %arg3[%add3A_194, %dma_wait3A_197] : memref<65536x512xf32, #tpu.memory_space<hbm>> -> memref<32x512xf32, #tpu.memory_space<hbm>>
        tpu.wait_dma2 semaphore(%arg13 : memref<!tpu.dma_semaphore, #tpu.memory_space<semaphore_mem>>) src(%arg5 : memref<32x512xf32, #tpu.memory_space<vmem>>) dst(%dma_wait3A_198 : memref<32x512xf32, #tpu.memory_space<hbm>>)
      } else {
      }
      %add3A_164 = arith.constant 2 : i32
      %add3A_165 = arith.addi %add3A_158, %add3A_164 : i32
      %lt3A_166 = arith.constant 64 : i32
      %lt3A_167 = arith.cmpi slt, %add3A_165, %lt3A_166 : i32
      %convert_element_type3A_168 = arith.extui %lt3A_167 : i1 to i32
      %cond3A_169 = arith.constant 0 : i32
      %cond3A_170 = arith.cmpi ne, %convert_element_type3A_168, %cond3A_169 : i32
      scf.if %cond3A_170 {
        %add3A_191 = arith.constant 2 : i32
        %add3A_192 = arith.addi %add3A_158, %add3A_191 : i32
        %mul3A_193 = arith.constant 32 : i32
        %mul3A_194 = arith.muli %add3A_192, %mul3A_193 : i32
        %add3A_195 = arith.addi %mul3A_2, %mul3A_194 : i32
        %dma_start3A_196 = arith.constant 0 : i32
        %dma_start3A_197 = tpu.memref_slice %arg2[%add3A_195, %dma_start3A_196] : memref<65536x512xf32, #tpu.memory_space<hbm>> -> memref<32x512xf32, #tpu.memory_space<hbm>>
        %dma_start3A_198 = arith.constant 0 : i32
        %dma_start3A_199 = tpu.memref_slice %arg2[%add3A_195, %dma_start3A_198] : memref<65536x512xf32, #tpu.memory_space<hbm>> -> memref<32x512xf32, #tpu.memory_space<hbm>>
        tpu.enqueue_dma source(%dma_start3A_199 : memref<32x512xf32, #tpu.memory_space<hbm>>) target(%arg5 : memref<32x512xf32, #tpu.memory_space<vmem>>) target_semaphore(%arg9 : memref<!tpu.dma_semaphore, #tpu.memory_space<semaphore_mem>>)
      } else {
      }
      %mul3A_171 = arith.constant 32 : i32
      %mul3A_172 = arith.muli %add3A_158, %mul3A_171 : i32
      %add3A_173 = arith.addi %mul3A_2, %mul3A_172 : i32
      %dma_wait3A_174 = arith.constant 0 : i32
      %dma_wait3A_175 = tpu.memref_slice %arg2[%add3A_173, %dma_wait3A_174] : memref<65536x512xf32, #tpu.memory_space<hbm>> -> memref<32x512xf32, #tpu.memory_space<hbm>>
      %dma_wait3A_176 = arith.constant 0 : i32
      %dma_wait3A_177 = tpu.memref_slice %arg2[%add3A_173, %dma_wait3A_176] : memref<65536x512xf32, #tpu.memory_space<hbm>> -> memref<32x512xf32, #tpu.memory_space<hbm>>
      tpu.wait_dma2 semaphore(%arg11 : memref<!tpu.dma_semaphore, #tpu.memory_space<semaphore_mem>>) src(%dma_wait3A_177 : memref<32x512xf32, #tpu.memory_space<hbm>>) dst(%arg7 : memref<32x512xf32, #tpu.memory_space<vmem>>)
      %scan3A_178 = arith.constant 0 : i32
      %scan3A_179 = arith.constant 0 : i32
      %scan3A_180 = arith.constant 32 : i32
      %scan3A_181 = arith.addi %scan3A_179, %scan3A_180 : i32
      %scan3A_182 = arith.constant 1 : i32
      scf.for %scan3A_191 = %scan3A_179 to %scan3A_181 step %scan3A_182  : i32 {
        %get3A = arith.index_cast %scan3A_191 : i32 to index
        %get3A_192 = arith.constant 0 : index
        %get3A_193 = tpu.vector_load %arg7[%get3A, %get3A_192] {strides = array<i32>} : memref<32x512xf32, #tpu.memory_space<vmem>>, vector<1x16xf32>,
        %get3A_194 = vector.shape_cast %get3A_193 : vector<1x16xf32> to vector<16xf32>
        %jit3A = arith.constant 0.000000e+00 : f32
        %broadcast_in_dim3A = vector.broadcast %jit3A : f32 to vector<16xf32>
        %select_n3A = arith.select %eq3A_4, %broadcast_in_dim3A, %get3A_194 : vector<16xi1>, vector<16xf32>
        %swap3A = arith.index_cast %scan3A_191 : i32 to index
        %swap3A_195 = arith.constant 0 : index
        %swap3A_196 = tpu.vector_load %arg7[%swap3A, %swap3A_195] {strides = array<i32>} : memref<32x512xf32, #tpu.memory_space<vmem>>, vector<1x16xf32>,
        %swap3A_197 = vector.shape_cast %swap3A_196 : vector<1x16xf32> to vector<16xf32>
        %swap3A_198 = vector.shape_cast %select_n3A : vector<16xf32> to vector<1x16xf32>
        tpu.vector_store %arg7[%swap3A, %swap3A_195], %swap3A_198 {strides = array<i32>} : memref<32x512xf32, #tpu.memory_space<vmem>>, vector<1x16xf32>,
        %get3A_199 = arith.index_cast %scan3A_191 : i32 to index
        %get3A_200 = arith.constant 112 : index
        %get3A_201 = tpu.vector_load %arg7[%get3A_199, %get3A_200] {strides = array<i32>} : memref<32x512xf32, #tpu.memory_space<vmem>>, vector<1x16xf32>,
        %get3A_202 = vector.shape_cast %get3A_201 : vector<1x16xf32> to vector<16xf32>
        %jit3A_203 = arith.constant 0.000000e+00 : f32
        %broadcast_in_dim3A_204 = vector.broadcast %jit3A_203 : f32 to vector<16xf32>
        %select_n3A_205 = arith.select %eq3A_7, %broadcast_in_dim3A_204, %get3A_202 : vector<16xi1>, vector<16xf32>
        %swap3A_206 = arith.index_cast %scan3A_191 : i32 to index
        %swap3A_207 = arith.constant 112 : index
        %swap3A_208 = tpu.vector_load %arg7[%swap3A_206, %swap3A_207] {strides = array<i32>} : memref<32x512xf32, #tpu.memory_space<vmem>>, vector<1x16xf32>,
        %swap3A_209 = vector.shape_cast %swap3A_208 : vector<1x16xf32> to vector<16xf32>
        %swap3A_210 = vector.shape_cast %select_n3A_205 : vector<16xf32> to vector<1x16xf32>
        tpu.vector_store %arg7[%swap3A_206, %swap3A_207], %swap3A_210 {strides = array<i32>} : memref<32x512xf32, #tpu.memory_space<vmem>>, vector<1x16xf32>,
        %get3A_211 = arith.index_cast %scan3A_191 : i32 to index
        %get3A_212 = arith.constant 256 : index
        %get3A_213 = tpu.vector_load %arg7[%get3A_211, %get3A_212] {strides = array<i32>} : memref<32x512xf32, #tpu.memory_space<vmem>>, vector<1x16xf32>,
        %get3A_214 = vector.shape_cast %get3A_213 : vector<1x16xf32> to vector<16xf32>
        %jit3A_215 = arith.constant 0.000000e+00 : f32
        %broadcast_in_dim3A_216 = vector.broadcast %jit3A_215 : f32 to vector<16xf32>
        %select_n3A_217 = arith.select %or3A, %broadcast_in_dim3A_216, %get3A_214 : vector<16xi1>, vector<16xf32>
        %swap3A_218 = arith.index_cast %scan3A_191 : i32 to index
        %swap3A_219 = arith.constant 256 : index
        %swap3A_220 = tpu.vector_load %arg7[%swap3A_218, %swap3A_219] {strides = array<i32>} : memref<32x512xf32, #tpu.memory_space<vmem>>, vector<1x16xf32>,
        %swap3A_221 = vector.shape_cast %swap3A_220 : vector<1x16xf32> to vector<16xf32>
        %swap3A_222 = vector.shape_cast %select_n3A_217 : vector<16xf32> to vector<1x16xf32>
        tpu.vector_store %arg7[%swap3A_218, %swap3A_219], %swap3A_222 {strides = array<i32>} : memref<32x512xf32, #tpu.memory_space<vmem>>, vector<1x16xf32>,
        %get3A_223 = arith.index_cast %scan3A_191 : i32 to index
        %get3A_224 = arith.constant 320 : index
        %get3A_225 = tpu.vector_load %arg7[%get3A_223, %get3A_224] {strides = array<i32>} : memref<32x512xf32, #tpu.memory_space<vmem>>, vector<1x16xf32>,
        %get3A_226 = vector.shape_cast %get3A_225 : vector<1x16xf32> to vector<16xf32>
        %jit3A_227 = arith.constant 0.000000e+00 : f32
        %broadcast_in_dim3A_228 = vector.broadcast %jit3A_227 : f32 to vector<16xf32>
        %select_n3A_229 = arith.select %eq3A_16, %broadcast_in_dim3A_228, %get3A_226 : vector<16xi1>, vector<16xf32>
        %swap3A_230 = arith.index_cast %scan3A_191 : i32 to index
        %swap3A_231 = arith.constant 320 : index
        %swap3A_232 = tpu.vector_load %arg7[%swap3A_230, %swap3A_231] {strides = array<i32>} : memref<32x512xf32, #tpu.memory_space<vmem>>, vector<1x16xf32>,
        %swap3A_233 = vector.shape_cast %swap3A_232 : vector<1x16xf32> to vector<16xf32>
        %swap3A_234 = vector.shape_cast %select_n3A_229 : vector<16xf32> to vector<1x16xf32>
        tpu.vector_store %arg7[%swap3A_230, %swap3A_231], %swap3A_234 {strides = array<i32>} : memref<32x512xf32, #tpu.memory_space<vmem>>, vector<1x16xf32>,
        %get3A_235 = arith.index_cast %scan3A_191 : i32 to index
        %get3A_236 = arith.constant 336 : index
        %get3A_237 = tpu.vector_load %arg7[%get3A_235, %get3A_236] {strides = array<i32>} : memref<32x512xf32, #tpu.memory_space<vmem>>, vector<1x16xf32>,
        %get3A_238 = vector.shape_cast %get3A_237 : vector<1x16xf32> to vector<16xf32>
        %jit3A_239 = arith.constant 0.000000e+00 : f32
        %broadcast_in_dim3A_240 = vector.broadcast %jit3A_239 : f32 to vector<16xf32>
        %select_n3A_241 = arith.select %eq3A_19, %broadcast_in_dim3A_240, %get3A_238 : vector<16xi1>, vector<16xf32>
        %swap3A_242 = arith.index_cast %scan3A_191 : i32 to index
        %swap3A_243 = arith.constant 336 : index
        %swap3A_244 = tpu.vector_load %arg7[%swap3A_242, %swap3A_243] {strides = array<i32>} : memref<32x512xf32, #tpu.memory_space<vmem>>, vector<1x16xf32>,
        %swap3A_245 = vector.shape_cast %swap3A_244 : vector<1x16xf32> to vector<16xf32>
        %swap3A_246 = vector.shape_cast %select_n3A_241 : vector<16xf32> to vector<1x16xf32>
        tpu.vector_store %arg7[%swap3A_242, %swap3A_243], %swap3A_246 {strides = array<i32>} : memref<32x512xf32, #tpu.memory_space<vmem>>, vector<1x16xf32>,
        %get3A_247 = arith.index_cast %scan3A_191 : i32 to index
        %get3A_248 = arith.constant 368 : index
        %get3A_249 = tpu.vector_load %arg7[%get3A_247, %get3A_248] {strides = array<i32>} : memref<32x512xf32, #tpu.memory_space<vmem>>, vector<1x16xf32>,
        %get3A_250 = vector.shape_cast %get3A_249 : vector<1x16xf32> to vector<16xf32>
        %jit3A_251 = arith.constant 0.000000e+00 : f32
        %broadcast_in_dim3A_252 = vector.broadcast %jit3A_251 : f32 to vector<16xf32>
        %select_n3A_253 = arith.select %eq3A_22, %broadcast_in_dim3A_252, %get3A_250 : vector<16xi1>, vector<16xf32>
        %swap3A_254 = arith.index_cast %scan3A_191 : i32 to index
        %swap3A_255 = arith.constant 368 : index
        %swap3A_256 = tpu.vector_load %arg7[%swap3A_254, %swap3A_255] {strides = array<i32>} : memref<32x512xf32, #tpu.memory_space<vmem>>, vector<1x16xf32>,
        %swap3A_257 = vector.shape_cast %swap3A_256 : vector<1x16xf32> to vector<16xf32>
        %swap3A_258 = vector.shape_cast %select_n3A_253 : vector<16xf32> to vector<1x16xf32>
        tpu.vector_store %arg7[%swap3A_254, %swap3A_255], %swap3A_258 {strides = array<i32>} : memref<32x512xf32, #tpu.memory_space<vmem>>, vector<1x16xf32>,
      }
      %scan3A_183 = arith.constant 32 : i32
      %mul3A_184 = arith.constant 32 : i32
      %mul3A_185 = arith.muli %add3A_158, %mul3A_184 : i32
      %add3A_186 = arith.addi %mul3A_2, %mul3A_185 : i32
      %dma_start3A_187 = arith.constant 0 : i32
      %dma_start3A_188 = tpu.memref_slice %arg3[%add3A_186, %dma_start3A_187] : memref<65536x512xf32, #tpu.memory_space<hbm>> -> memref<32x512xf32, #tpu.memory_space<hbm>>
      %dma_start3A_189 = arith.constant 0 : i32
      %dma_start3A_190 = tpu.memref_slice %arg3[%add3A_186, %dma_start3A_189] : memref<65536x512xf32, #tpu.memory_space<hbm>> -> memref<32x512xf32, #tpu.memory_space<hbm>>
      tpu.enqueue_dma source(%arg7 : memref<32x512xf32, #tpu.memory_space<vmem>>) target(%dma_start3A_190 : memref<32x512xf32, #tpu.memory_space<hbm>>) target_semaphore(%arg15 : memref<!tpu.dma_semaphore, #tpu.memory_space<semaphore_mem>>)
    }
    %scan3A_38 = arith.constant 16 : i32
    %add3A_39 = arith.constant 1984 : i32
    %add3A_40 = arith.addi %mul3A_2, %add3A_39 : i32
    %dma_wait3A = arith.constant 0 : i32
    %dma_wait3A_41 = tpu.memref_slice %arg3[%add3A_40, %dma_wait3A] : memref<65536x512xf32, #tpu.memory_space<hbm>> -> memref<32x512xf32, #tpu.memory_space<hbm>>
    %dma_wait3A_42 = arith.constant 0 : i32
    %dma_wait3A_43 = tpu.memref_slice %arg3[%add3A_40, %dma_wait3A_42] : memref<65536x512xf32, #tpu.memory_space<hbm>> -> memref<32x512xf32, #tpu.memory_space<hbm>>
    tpu.wait_dma2 semaphore(%arg14 : memref<!tpu.dma_semaphore, #tpu.memory_space<semaphore_mem>>) src(%arg6 : memref<32x512xf32, #tpu.memory_space<vmem>>) dst(%dma_wait3A_43 : memref<32x512xf32, #tpu.memory_space<hbm>>)
    %add3A_44 = arith.constant 2016 : i32
    %add3A_45 = arith.addi %mul3A_2, %add3A_44 : i32
    %dma_wait3A_46 = arith.constant 0 : i32
    %dma_wait3A_47 = tpu.memref_slice %arg3[%add3A_45, %dma_wait3A_46] : memref<65536x512xf32, #tpu.memory_space<hbm>> -> memref<32x512xf32, #tpu.memory_space<hbm>>
    %dma_wait3A_48 = arith.constant 0 : i32
    %dma_wait3A_49 = tpu.memref_slice %arg3[%add3A_45, %dma_wait3A_48] : memref<65536x512xf32, #tpu.memory_space<hbm>> -> memref<32x512xf32, #tpu.memory_space<hbm>>
    tpu.wait_dma2 semaphore(%arg15 : memref<!tpu.dma_semaphore, #tpu.memory_space<semaphore_mem>>) src(%arg7 : memref<32x512xf32, #tpu.memory_space<vmem>>) dst(%dma_wait3A_49 : memref<32x512xf32, #tpu.memory_space<hbm>>)
    return
  }
}

</mosaic_0001>

<sc_bundles>
// kernel: kernel.3.cloned.1.call-start
scs
__scs_entry_jumppad:
0x0: {  	(pc) =	sbr.rel $0x88, $3  }
0x1: {  	(tag) =	ssettag $0x0;
	lr =	simm.s32 $0x1  }
0x2: {  	[smem:$0x3FA0] =	sst lr;
	_ =	strace $0xD0000000  }
0x3: {  	_ = 	snop  }
0x4: {  	_ = 	snop  }
0x5: {  	_ = 	snop  }
0x6: {  	_ = 	snop  }
0x7: {  	_ = 	snop  }
__scs_overlays_trampoline_lowered:
0x8: {  	[smem:$0x3FAF] =	sst s0  }
0x9: {  	[smem:$0x3FB0] =	sst s1  }
0xa: {  	[smem:$0x3FB1] =	sst s2  }
0xb: {  	[smem:$0x3FB2] =	sst s3  }
0xc: {  	[smem:$0x3FB3] =	sst s4  }
0xd: {  	[smem:$0x3FB4] =	sst s5  }
0xe: {  	[smem:$0x3FB5] =	sst s6  }
0xf: {  	[smem:$0x3FB6] =	sst s7  }
0x10: {  	[smem:$0x3FB7] =	sst s8  }
0x11: {  	[smem:$0x3FB8] =	sst s9;
	s0 =	simm.s32 @!p0 $0x0  }
0x12: {  	s1 =	sld [smem:$0x3F9E];
	s0 =	simm.s32 @p0 $0x1  }
0x13: {  	[smem:$0x3FB9] =	sst s0;
	s0 =	simm.s32 @!p1 $0x0  }
0x14: {  	s2 =	sld [smem:$0x3F9D];
	s0 =	simm.s32 @p1 $0x1  }
0x15: {  	[smem:$0x3FBA] =	sst s0;
	s0 =	simm.s32 @!p2 $0x0  }
0x16: {  	s3 =	sld [smem:$0x3FDB];
	s0 =	simm.s32 @p2 $0x1  }
0x17: {  	s4 =	simm.s32 $0x1BF5;
	[smem:$0x3FBC] =	sst s0  }
0x18: {  	s0 =	sld [smem:$0x3F9F];
	_ =	swait.ge [sflag:s4], $0x0  }
0x19: {  	s7 =	sld [smem:$0x3FA0]  }
0x1a: {  	s8 =	sadd.s32 $0xFFFFE003, lr  }
0x1b: {  	s9 =	sadd.s32 $0xFFFFFEF7, lr;
	s5 =	simm.s32 $0xFFFFFFFF;
	p2 =	slt.u32 s8, $0xFFFFF086  }
0x1c: {  	p1 =	slt.u32 s9, $0xF7A;
	s5 =	simm.s32 @!p2 $0x0  }
0x1d: {  	s5 =	simm.s32 @p1 $0x1;
	p0 =	seq.s32 s7, s2  }
0x1e: {  	s7 =	smul.u32 @!p0 $0xF7A, s2;
	p2 =	seq.s32 @!p0 s5, $0x0  }
0x1f: {  	s9 =	smul.u32 $0xF7A, s1;
	s8 =	simm.s32 @!p0 $0x1BF5;
	p2 =	por !p2, p0  }
0x20: {  	[sflag:s8] =	ssyncset.s32 @!p0 $0xFFFFF086;
	s6 =	sadd.s32 @!p0 s3, s7;
	s7 =	simm.s32 @!p0 $0x108  }
0x21: {  	s3 =	sadd.s32 s3, s9;
	s6 =	sadd.s32 @!p0 $0x88, s6;
	s7 =	simm.s32 @p2 $0x1082  }
0x22: {  	[simem:s7], [sflag:s8] =	dma.local @!p0 [hbm:s6], $0xF7A  }
0x23: {  	s9 =	sor.u32 $0xD0000000, s2;
	s6 =	simm.s32 $0x108;
	_ =	swait.ge @!p0 [sflag:s8], $0x0  }
0x24: {  	s3 =	sadd.s32 $0x88, s3;
	s6 =	simm.s32 @!p1 $0x1082;
	[sflag:s4] =	ssyncset.s32 $0xFFFFF086  }
0x25: {  	[simem:s6], [sflag:s4] =	dma.local [hbm:s3], $0xF7A  }
0x26: {  	[smem:$0x3FA0] =	sst s1;
	(tag) =	ssettag s2;
	_ =	strace s9  }
0x27: {  	s1 =	sld [smem:$0x3FB0]  }
0x28: {  	s2 =	sld [smem:$0x3FB1]  }
0x29: {  	s4 =	sld [smem:$0x3FB3]  }
0x2a: {  	p0 =	seq.s32 s5, $0x0;
	s5 =	sld [smem:$0x3FB4]  }
0x2b: {  	s6 =	sld [smem:$0x3FB5]  }
0x2c: {  	s7 =	sld [smem:$0x3FB6]  }
0x2d: {  	s3 =	simm.s32 $0x108;
	s8 =	sld [smem:$0x3FB7]  }
0x2e: {  	s3 =	simm.s32 @!p0 $0x1082;
	s9 =	sld [smem:$0x3FB8]  }
0x2f: {  	lr =	sadd.s32 s0, s3;
	s0 =	sld [smem:$0x3FAF]  }
0x30: {  	s3 =	sld [smem:$0x3FB2]  }
0x31: {  	[smem:$0x3FBB] =	sst s10  }
0x32: {  	s10 =	sld [smem:$0x3FB9];
	_ =	sdelay $0x3  }
0x33: {  	p0 =	seq.s32 s10, $0x1;
	s10 =	sld [smem:$0x3FBB];
	_ =	sdelay $0x3  }
0x34: {  	[smem:$0x3FBB] =	sst s10  }
0x35: {  	s10 =	sld [smem:$0x3FBA];
	_ =	sdelay $0x3  }
0x36: {  	p1 =	seq.s32 s10, $0x1;
	s10 =	sld [smem:$0x3FBB];
	_ =	sdelay $0x3  }
0x37: {  	[smem:$0x3FBB] =	sst s10  }
0x38: {  	s10 =	sld [smem:$0x3FBC]  }
0x39: {  	_ = 	snop;
	(pc) =	sbr.ind lr, $3  }
0x3a: {  	_ = 	snop  }
0x3b: {  	_ = 	snop  }
0x3c: {  	p2 =	seq.s32 s10, $0x1;
	s10 =	sld [smem:$0x3FBB]  }
0x3d: {  	_ =	shalt  }
0x3e: {  	_ =	shalt  }
0x3f: {  	_ =	shalt  }
0x40: {  	_ =	shalt  }
0x41: {  	_ =	shalt  }
0x42: {  	_ =	shalt  }
0x43: {  	_ =	shalt  }
0x44: {  	_ =	shalt  }
0x45: {  	_ =	shalt  }
0x46: {  	_ =	shalt  }
0x47: {  	_ =	shalt  }
0x48: {  	_ =	shalt  }
0x49: {  	_ =	shalt  }
0x4a: {  	_ =	shalt  }
0x4b: {  	_ =	shalt  }
0x4c: {  	_ =	shalt  }
0x4d: {  	_ =	shalt  }
0x4e: {  	_ =	shalt  }
0x4f: {  	_ =	shalt  }
0x50: {  	_ =	shalt  }
0x51: {  	_ =	shalt  }
0x52: {  	_ =	shalt  }
0x53: {  	_ =	shalt  }
0x54: {  	_ =	shalt  }
0x55: {  	_ =	shalt  }
0x56: {  	_ =	shalt  }
0x57: {  	_ =	shalt  }
0x58: {  	_ =	shalt  }
0x59: {  	_ =	shalt  }
0x5a: {  	_ =	shalt  }
0x5b: {  	_ =	shalt  }
0x5c: {  	_ =	shalt  }
0x5d: {  	_ =	shalt  }
0x5e: {  	_ =	shalt  }
0x5f: {  	_ =	shalt  }
0x60: {  	_ =	shalt  }
0x61: {  	_ =	shalt  }
0x62: {  	_ =	shalt  }
0x63: {  	_ =	shalt  }
0x64: {  	_ =	shalt  }
0x65: {  	_ =	shalt  }
0x66: {  	_ =	shalt  }
0x67: {  	_ =	shalt  }
0x68: {  	_ =	shalt  }
0x69: {  	_ =	shalt  }
0x6a: {  	_ =	shalt  }
0x6b: {  	_ =	shalt  }
0x6c: {  	_ =	shalt  }
0x6d: {  	_ =	shalt  }
0x6e: {  	_ =	shalt  }
0x6f: {  	_ =	shalt  }
0x70: {  	_ =	shalt  }
0x71: {  	_ =	shalt  }
0x72: {  	_ =	shalt  }
0x73: {  	_ =	shalt  }
0x74: {  	_ =	shalt  }
0x75: {  	_ =	shalt  }
0x76: {  	_ =	shalt  }
0x77: {  	_ =	shalt  }
0x78: {  	_ =	shalt  }
0x79: {  	_ =	shalt  }
0x7a: {  	_ =	shalt  }
0x7b: {  	_ =	shalt  }
0x7c: {  	_ =	shalt  }
0x7d: {  	_ =	shalt  }
0x7e: {  	_ =	shalt  }
0x7f: {  	_ =	shalt  }
0x80: {  	_ =	shalt  }
0x81: {  	_ =	shalt  }
0x82: {  	_ =	shalt  }
0x83: {  	_ =	shalt  }
0x84: {  	_ =	shalt  }
0x85: {  	_ =	shalt  }
0x86: {  	_ =	shalt  }
0x87: {  	_ =	shalt  }
.Lfunc_end0:
.L_simem_size_0:
called_computation_lowered:
.L_overlay_start_0:
0x88: {  	s2 =	sld [smem:$0x3FD9]  }
0x89: {  	s3 =	sld [smem:$0x3FFE];
	_ =	sdelay $0x1  }
0x8a: {  	s1 =	srdreg.scid  }
0x8b: {  	s0 =	sand.u32 $0x1, s1  }
0x8c: {  	s18 =	sshll.u32 s0, $0xA;
	s2 =	sadd.s32 s3, s2  }
0x8d: {  	s2 =	sadd.s32 s2, s18  }
0x8e: {  	[smem:$0x3FC7] =	sst s2  }
0x8f: {  	_ = 	snop  }
0x90: {  	s2 =	sld [smem:$0x3FC9]  }
0x91: {  	s19 =	sld [smem:$0x3FD0];
	(tm) =	ssettm $0x1  }
0x92: {  	s4 =	sld [smem:$0x3FFB];
	_ =	sdelay $0x3  }
0x93: {  	_ =	strace s4  }
0x94: {  	s4 =	sld [smem:$0x3FFC];
	_ =	sdelay $0x3  }
0x95: {  	_ =	strace s4  }
0x96: {  	s4 =	sld [smem:$0x3FFD];
	_ =	sdelay $0x3  }
0x97: {  	_ =	strace s4  }
0x98: {  	_ =	strace $0x8FFFFFFF  }
0x99: {  	s20 =	sld [smem:$0x3FDB];
	_ =	sdelay $0x1  }
0x9a: {  	s5 =	simm.s32 $_scs_section_size  }
0x9b: {  	s6 =	simm.s32 $_size__tile_overlayer_lowered;
	s7 =	simm.s32 $_tile_overlayer_lowered  }
0x9c: {  	s23 =	simm.s32 $0x1BFF;
	s22 =	sshll.u32 s7, $0x1;
	s4 =	sadd.s32 s5, s20  }
0x9d: {  	s8 =	simm.s32 $0x0;
	s21 =	sshll.u32 s6, $0x1;
	s6 =	sadd.s32 s22, s4  }
0x9e: {  	[timem:s8], [sflag:s23] =	dma.local [hbm:s6], s21  }
0x9f: {  	_ =	swait.ge [sflag:s23], s21  }
0xa0: {  	s5 =	ssub.s32 $0x0, s21;
	[sflag:s23] =	ssyncset.done $0x0  }
0xa1: {  	[sflag:s23] =	ssyncadd.s32 s5;
	_ =	sdelay $0x1  }
0xa2: {  	s24 =	simm.s32 $0x1B8B  }
0xa3: {  	_ =	swait.ge [sflag:s24], $0x1  }
0xa4: {  	[sflag:s24] =	ssyncset.done $0x0  }
0xa5: {  	s25 =	simm.s32 $0x1B8E;
	[sflag:s24] =	ssyncadd.s32 $0xFFFFFFFF  }
0xa6: {  	s26 =	simm.s32 $execute0_lowered;
	[smem:$0x3FD2] =	sst s25  }
0xa7: {  	s5 =	sshll.u32 s26, $0x1;
	_ =	strace $0x80000046;
	[dreg:$0x1] =	wrdreg $0xFFFFFFFF  }
0xa8: {  	s28 =	simm.s32 $_size_execute0_lowered;
	s4 =	sadd.s32 s4, s5;
	[dreg:$0x0] =	wrdreg $0x0  }
0xa9: {  	s5 =	sshll.u32 s28, $0x1;
	[dreg:$0x2] =	wrdreg s4  }
0xaa: {  	[dreg:$0x3] =	wrdreg s5  }
0xab: {  	[dreg:$0x4] =	wrdreg $0xC0  }
0xac: {  	_ =	task [dreg:s8], $0x5FFFF  }
0xad: {  	[dreg:$0x1] =	wrdreg $0xFFFFFFFF  }
0xae: {  	[dreg:$0x0] =	wrdreg $0x60  }
0xaf: {  	[dreg:$0x2] =	wrdreg s2  }
0xb0: {  	[dreg:$0x3] =	wrdreg s19  }
0xb1: {  	[dreg:$0x4] =	wrdreg $0x9  }
0xb2: {  	_ =	task.clear_ibuf [dreg:s8], $0x5FFFF;
	_ =	strace $0x90000046  }
0xb3: {  	s29 =	simm.s32 $0x9;
	_ =	strace $0x80000048  }
0xb4: {  	_ =	swait.ge [sflag:s29], $0x1  }
0xb5: {  	[sflag:s29] =	ssyncadd.s32 $0xFFFFFFFF  }
0xb6: {  	_ =	strace $0x90000048  }
0xb7: {  	_ =	sfence  }
0xb8: {  	s30 =	sld [smem:$0x0];
	_ =	sdelay $0x2  }
0xb9: {  	s31 =	sshll.u32 s1, $0xD;
	s1 =	sshrl.u32 s1, $0x2  }
0xba: {  	s3 =	sand.u32 $0x4000, s31;
	s1 =	sadd.s32 s1, s30  }
0xbb: {  	s0 =	sor.u32 s3, s0;
	s1 =	sshll.u32 s1, $0x11  }
0xbc: {  	s0 =	sor.u32 s1, s0  }
0xbd: {  	s0 =	sadd.s32 $0x8F2B, s0  }
0xbe: {  	[sflag:s0] =	ssyncadd.remote.s32 $0x1  }
0xbf: {  	_ =	sfence.sel $0xFFFF  }
0xc0: {  	[dreg:$0x0] =	wrdreg $0xFFFFFFFF;
	(pc) =	sbr.abs _section_cstart, $3  }
0xc1: {  	[dreg:$0x1] =	wrdreg $0xFFFFFFFF  }
0xc2: {  	_ =	task.clear_ibuf [dreg:s8], $0x2FFFF;
	_ =	strace $0x9FFFFFFF  }
0xc3: {  	(tm) =	ssettm $0x7FFFFFFF  }
tec
execute0_lowered:
.L_overlay_start_1:
0x0: {  	(tag) =	ssettag $0x1  }
0x1: {  	s2 =	rddreg [dreg:$0x0]  }
0x2: {  	s3 =	rddreg [dreg:$0x1]  }
0x3: {  	s0 =	srdreg.scid;
	s1 =	stileid.u32  }
0x4: {  	s4 =	simm.s32 $0x0;
	s14 =	simm.s32 $0x4000;
	s15 =	simm.s32 $0x8000  }
0x5: {  	s16 =	simm.s32 $0x1;
	s17 =	simm.s32 $0xC000;
	s18 =	simm.s32 $0x2  }
0x6: {  	s19 =	simm.s32 $0x5;
	s20 =	simm.s32 $0x3;
	s21 =	simm.s32 $0x6  }
0x7: {  	s22 =	simm.s32 $0x4;
	s23 =	simm.s32 $0x7;
	s24 =	simm.s32 $0x8  }
0x8: {  	s25 =	simm.s32 $0x0;
	s0 =	sand.u32 $0x1, s0;
	s1 =	sshll.u32 s1, $0x12  }
0x9: {  	[smem:$0x7FF] =	sst s4;
	s5 =	sshll.u32 s0, $0x11;
	s0 =	ssub.s32 $0x2, s0  }
0xa: {  	_ =	strace $0x80000047;
	s1 =	sor.u32 s5, s1;
	s6 =	sshrl.u32 s0, $0x1  }
0xb: {  	s5 =	sadd.s32 s2, s1;
	s0 =	ssub.s32 s0, s6;
	s7 =	sor.u32 $0x1000, s1  }
0xc: {  	s8 =	sor.u32 $0x1800, s1;
	s9 =	sadd.s32 s3, s1;
	s31 =	sadd.s32 $0x800, s5  }
0xd: {  	s10 =	sadd.s32 $0x2000, s5;
	s0 =	smax.u32 s0, $0x1;
	[dreg:$0x3] =	wrdreg s31  }
0xe: {  	v0 =	vlaneseq.u32;
	vm0 =	vcmask $0x1F28;
	s11 =	sadd.s32 $0x2800, s5;
	s13 =	sadd.s32 $0x800, s9;
	[dreg:$0x4] =	wrdreg s0  }
.LBB2_1:
0xf: {  	[tilespmem:s4], [sflag:$0x1] =	stream.linear.gather [hbm4b:s5+s4], $0x4000, $0x38;
	[tilespmem:$0x10000] =	vst v63  }
0x10: {  	s0 =	rddreg [dreg:$0x3];
	s26 =	simm.s32 $0x0  }
0x11: {  	[tilespmem:s14], [sflag:$0x2] =	stream.linear.gather [hbm4b:s0+s4], $0x4000, $0x38;
	[tilespmem:$0x10000] =	vst v63  }
.LBB2_2:
0x12: {  	p0 =	seq.s32 s26, $0x0  }
0x13: {  	s0 =	simm.s32 @!p0 $0x7  }
0x14: {  	s28 =	sshll.u32 s26, $0xD;
	_ =	swait.ge @!p0 [sflag:s0], $0x4000  }
0x15: {  	s29 =	sadd.s32 s7, s28;
	[sflag:s0] =	ssyncset.done @!p0 $0x0  }
0x16: {  	s1 =	simm.s32 $0x0;
	s12 =	sadd.s32 s2, s29;
	[sflag:s0] =	ssyncadd.s32 @!p0 $0xFFFFC000  }
0x17: {  	[tilespmem:s15], [sflag:$0x3] =	stream.linear.gather [hbm4b:s12+s1], $0x4000, $0x38;
	[tilespmem:$0x10000] =	vst v63  }
0x18: {  	_ =	swait.ge [sflag:s16], $0x4000  }
0x19: {  	s6 =	sand.u32 $0x3000, s1;
	s1 =	sand.u32 $0x380, s1;
	[sflag:s16] =	ssyncset.done $0x0  }
0x1a: {  	s30 =	sor.u32 s1, s6;
	[sflag:s16] =	ssyncadd.s32 $0xFFFFC000  }
0x1b: {  	v1 =	vld [tilespmem:s30+$0x0]  }
0x1c: {  	v2 =	vld [tilespmem:s30+$0x70]  }
0x1d: {  	v4 =	vld [tilespmem:s30+$0x840]  }
0x1e: {  	v5 =	vld [tilespmem:s30+$0x800];
	_ =	sdelay $0x1  }
0x1f: {  	vm1 =	veq.s32 v0, $0x8;
	s0 =	simm.s32 $0x80;
	s12 =	simm.s32 $0x200;
	v6 =	vld [tilespmem:s30+$0x850]  }
0x20: {  	vm2 =	veq.s32 v0, $0xB;
	s1 =	sand.u32 $0x3000, s12;
	s6 =	sand.u32 $0x380, s0;
	v7 =	vld [tilespmem:s30+$0x870];
	v1 =	vsel vm1, $0x0, v1  }
0x21: {  	vm3 =	veq.s32 v0, $0x6;
	s31 =	sor.u32 s6, s1;
	[tilespmem:s30+$0x0] =	vst v1;
	v1 =	vsel vm2, $0x0, v2  }
0x22: {  	v2 =	vsel vm3, $0x0, v4;
	v4 =	vnsel vm0, $0x0, v5;
	v3 =	vld [tilespmem:s31+$0x0];
	[tilespmem:s30+$0x70] =	vst v1  }
0x23: {  	vm4 =	veq.s32 v0, $0x2;
	[tilespmem:s30+$0x800] =	vst v4;
	v1 =	vld [tilespmem:s31+$0x70]  }
0x24: {  	v5 =	vsel vm4, $0x0, v6;
	[tilespmem:s30+$0x840] =	vst v2;
	v4 =	vld [tilespmem:s31+$0x800]  }
0x25: {  	s1 =	simm.s32 $0x400;
	v2 =	vld [tilespmem:s31+$0x840];
	[tilespmem:s30+$0x850] =	vst v5;
	v5 =	vsel vm2, $0x0, v7  }
.LBB2_3:
0x26: {  	p1 =	sne.s32 s1, $0x3E00;
	v6 =	vld [tilespmem:s31+$0x850];
	s0 =	sadd.s32 $0x80, s0;
	[tilespmem:s30+$0x870] =	vst v5;
	s30 =	smov.u32 s31  }
0x27: {  	s6 =	sand.u32 $0x3000, s1;
	s31 =	sand.u32 $0x380, s0;
	v3 =	vsel vm1, $0x0, v3;
	v5 =	vld [tilespmem:s30+$0x870]  }
.Ltmp0:
0x28: {  	s31 =	sor.u32 s31, s6;
	[tilespmem:s30+$0x0] =	vst v3;
	v1 =	vsel vm2, $0x0, v1;
	(pc) =	sbr.rel @p1 .LBB2_3-.Ltmp0, $4  }
0x29: {  	v3 =	vld [tilespmem:s31+$0x0];
	[tilespmem:s30+$0x70] =	vst v1;
	v4 =	vnsel vm0, $0x0, v4  }
0x2a: {  	v1 =	vld [tilespmem:s31+$0x70];
	[tilespmem:s30+$0x800] =	vst v4;
	v2 =	vsel vm3, $0x0, v2  }
0x2b: {  	v4 =	vld [tilespmem:s31+$0x800];
	[tilespmem:s30+$0x840] =	vst v2;
	v6 =	vsel vm4, $0x0, v6  }
0x2c: {  	s1 =	sadd.s32 $0x200, s1;
	v2 =	vld [tilespmem:s31+$0x840];
	[tilespmem:s30+$0x850] =	vst v6;
	v5 =	vsel vm2, $0x0, v5  }
0x2d: {  	v6 =	vld [tilespmem:s31+$0x850];
	vm1 =	veq.s32 v0, $0x8;
	[tilespmem:s30+$0x870] =	vst v5  }
0x2e: {  	vm2 =	veq.s32 v0, $0xB;
	v3 =	vsel vm1, $0x0, v3;
	v5 =	vld [tilespmem:s31+$0x870]  }
0x2f: {  	[tilespmem:s31+$0x0] =	vst v3;
	v1 =	vsel vm2, $0x0, v1  }
0x30: {  	vm3 =	veq.s32 v0, $0x6;
	[tilespmem:s31+$0x70] =	vst v1;
	v1 =	vnsel vm0, $0x0, v4  }
0x31: {  	vm4 =	veq.s32 v0, $0x2;
	[tilespmem:s31+$0x800] =	vst v1;
	v1 =	vsel vm3, $0x0, v2  }
0x32: {  	[tilespmem:s31+$0x840] =	vst v1;
	v1 =	vsel vm4, $0x0, v6  }
0x33: {  	[tilespmem:s31+$0x850] =	vst v1;
	v1 =	vsel vm2, $0x0, v5  }
0x34: {  	s0 =	sadd.s32 s28, s9;
	[tilespmem:s31+$0x870] =	vst v1  }
0x35: {  	[hbm4b:s0+s4] =	stream.linear.scatter [tilespmem:s4], [sflag:$0x5], $0x4000, $0x38;
	[tilespmem:$0x10000] =	vst v63  }
0x36: {  	s0 =	simm.s32 @!p0 $0x8  }
0x37: {  	_ =	swait.ge @!p0 [sflag:s0], $0x4000  }
0x38: {  	s30 =	sadd.s32 s8, s28;
	[sflag:s0] =	ssyncset.done @!p0 $0x0  }
0x39: {  	s1 =	simm.s32 $0x0;
	s12 =	sadd.s32 s2, s30;
	[sflag:s0] =	ssyncadd.s32 @!p0 $0xFFFFC000  }
0x3a: {  	[tilespmem:s17], [sflag:$0x4] =	stream.linear.gather [hbm4b:s12+s1], $0x4000, $0x38;
	[tilespmem:$0x10000] =	vst v63  }
0x3b: {  	_ =	swait.ge [sflag:s18], $0x4000  }
0x3c: {  	s6 =	sand.u32 $0x3000, s1;
	s1 =	sand.u32 $0x380, s1;
	[sflag:s18] =	ssyncset.done $0x0  }
0x3d: {  	s31 =	sor.u32 s1, s6;
	[sflag:s18] =	ssyncadd.s32 $0xFFFFC000  }
0x3e: {  	v1 =	vld [tilespmem:s31+$0x4000]  }
0x3f: {  	v2 =	vld [tilespmem:s31+$0x4070]  }
0x40: {  	v4 =	vld [tilespmem:s31+$0x4840]  }
0x41: {  	v5 =	vld [tilespmem:s31+$0x4800];
	_ =	sdelay $0x1  }
0x42: {  	s12 =	simm.s32 $0x200;
	s1 =	simm.s32 $0x80;
	v6 =	vld [tilespmem:s31+$0x4850]  }
0x43: {  	s0 =	sand.u32 $0x3000, s12;
	s6 =	sand.u32 $0x380, s1;
	v7 =	vld [tilespmem:s31+$0x4870];
	v1 =	vsel vm1, $0x0, v1  }
0x44: {  	s0 =	sor.u32 s6, s0;
	[tilespmem:s31+$0x4000] =	vst v1;
	v1 =	vsel vm2, $0x0, v2  }
0x45: {  	v3 =	vld [tilespmem:s0+$0x4000];
	[tilespmem:s31+$0x4070] =	vst v1;
	v1 =	vsel vm3, $0x0, v4;
	v4 =	vnsel vm0, $0x0, v5  }
0x46: {  	v2 =	vld [tilespmem:s0+$0x4070];
	[tilespmem:s31+$0x4800] =	vst v4  }
0x47: {  	v5 =	vsel vm4, $0x0, v6;
	[tilespmem:s31+$0x4840] =	vst v1;
	v4 =	vld [tilespmem:s0+$0x4800]  }
0x48: {  	s6 =	simm.s32 $0x400;
	v1 =	vld [tilespmem:s0+$0x4840];
	[tilespmem:s31+$0x4850] =	vst v5;
	v5 =	vsel vm2, $0x0, v7  }
.LBB2_5:
0x49: {  	p0 =	sne.s32 s6, $0x3E00;
	v6 =	vld [tilespmem:s0+$0x4850];
	s1 =	sadd.s32 $0x80, s1;
	[tilespmem:s31+$0x4870] =	vst v5;
	s31 =	smov.u32 s0  }
0x4a: {  	s0 =	sand.u32 $0x3000, s6;
	s12 =	sand.u32 $0x380, s1;
	v3 =	vsel vm1, $0x0, v3;
	v5 =	vld [tilespmem:s31+$0x4870]  }
.Ltmp1:
0x4b: {  	s0 =	sor.u32 s12, s0;
	[tilespmem:s31+$0x4000] =	vst v3;
	v2 =	vsel vm2, $0x0, v2;
	(pc) =	sbr.rel @p0 .LBB2_5-.Ltmp1, $4  }
0x4c: {  	v3 =	vld [tilespmem:s0+$0x4000];
	[tilespmem:s31+$0x4070] =	vst v2;
	v4 =	vnsel vm0, $0x0, v4  }
0x4d: {  	v2 =	vld [tilespmem:s0+$0x4070];
	[tilespmem:s31+$0x4800] =	vst v4;
	v1 =	vsel vm3, $0x0, v1  }
0x4e: {  	v4 =	vld [tilespmem:s0+$0x4800];
	[tilespmem:s31+$0x4840] =	vst v1;
	v6 =	vsel vm4, $0x0, v6  }
0x4f: {  	s6 =	sadd.s32 $0x200, s6;
	v1 =	vld [tilespmem:s0+$0x4840];
	[tilespmem:s31+$0x4850] =	vst v6;
	v5 =	vsel vm2, $0x0, v5  }
0x50: {  	v6 =	vld [tilespmem:s0+$0x4850];
	vm1 =	veq.s32 v0, $0x8;
	[tilespmem:s31+$0x4870] =	vst v5  }
0x51: {  	vm2 =	veq.s32 v0, $0xB;
	v3 =	vsel vm1, $0x0, v3;
	v5 =	vld [tilespmem:s0+$0x4870]  }
0x52: {  	[tilespmem:s0+$0x4000] =	vst v3;
	v2 =	vsel vm2, $0x0, v2  }
0x53: {  	vm3 =	veq.s32 v0, $0x6;
	[tilespmem:s0+$0x4070] =	vst v2;
	v2 =	vnsel vm0, $0x0, v4  }
0x54: {  	vm4 =	veq.s32 v0, $0x2;
	[tilespmem:s0+$0x4800] =	vst v2;
	v1 =	vsel vm3, $0x0, v1  }
0x55: {  	[tilespmem:s0+$0x4840] =	vst v1;
	v1 =	vsel vm4, $0x0, v6  }
0x56: {  	[tilespmem:s0+$0x4850] =	vst v1;
	v1 =	vsel vm2, $0x0, v5  }
0x57: {  	s12 =	sadd.s32 s13, s28;
	[tilespmem:s0+$0x4870] =	vst v1  }
0x58: {  	[hbm4b:s12+s4] =	stream.linear.scatter [tilespmem:s14], [sflag:$0x6], $0x4000, $0x38;
	[tilespmem:$0x10000] =	vst v63  }
0x59: {  	_ =	swait.ge [sflag:s19], $0x4000  }
0x5a: {  	p0 =	seq.s32 s26, $0xF;
	[sflag:s19] =	ssyncset.done $0x0  }
0x5b: {  	s1 =	simm.s32 @!p0 $0x0;
	s0 =	sadd.s32 @!p0 s28, s10;
	[sflag:s19] =	ssyncadd.s32 $0xFFFFC000  }
0x5c: {  	[tilespmem:s1], [sflag:$0x1] =	stream.linear.gather @!p0 [hbm4b:s0+s1], $0x4000, $0x38;
	[tilespmem:$0x10000] =	vst v63  }
0x5d: {  	s1 =	simm.s32 $0x0;
	_ =	swait.ge [sflag:s20], $0x4000  }
0x5e: {  	s6 =	sand.u32 $0x3000, s1;
	s0 =	sand.u32 $0x380, s1;
	[sflag:s20] =	ssyncset.done $0x0  }
0x5f: {  	s31 =	sor.u32 s0, s6;
	[sflag:s20] =	ssyncadd.s32 $0xFFFFC000  }
0x60: {  	v1 =	vld [tilespmem:s31+$0x8000]  }
0x61: {  	v2 =	vld [tilespmem:s31+$0x8070]  }
0x62: {  	v4 =	vld [tilespmem:s31+$0x8840]  }
0x63: {  	v5 =	vld [tilespmem:s31+$0x8800];
	_ =	sdelay $0x1  }
0x64: {  	s12 =	simm.s32 $0x200;
	s1 =	simm.s32 $0x80;
	v6 =	vld [tilespmem:s31+$0x8850]  }
0x65: {  	s0 =	sand.u32 $0x3000, s12;
	s6 =	sand.u32 $0x380, s1;
	v7 =	vld [tilespmem:s31+$0x8870];
	v1 =	vsel vm1, $0x0, v1  }
0x66: {  	s0 =	sor.u32 s6, s0;
	[tilespmem:s31+$0x8000] =	vst v1;
	v1 =	vsel vm2, $0x0, v2  }
0x67: {  	v3 =	vld [tilespmem:s0+$0x8000];
	[tilespmem:s31+$0x8070] =	vst v1;
	v1 =	vsel vm3, $0x0, v4;
	v4 =	vnsel vm0, $0x0, v5  }
0x68: {  	v2 =	vld [tilespmem:s0+$0x8070];
	[tilespmem:s31+$0x8800] =	vst v4  }
0x69: {  	v5 =	vsel vm4, $0x0, v6;
	[tilespmem:s31+$0x8840] =	vst v1;
	v4 =	vld [tilespmem:s0+$0x8800]  }
0x6a: {  	s6 =	simm.s32 $0x400;
	v1 =	vld [tilespmem:s0+$0x8840];
	[tilespmem:s31+$0x8850] =	vst v5;
	v5 =	vsel vm2, $0x0, v7  }
.LBB2_7:
0x6b: {  	p1 =	sne.s32 s6, $0x3E00;
	v6 =	vld [tilespmem:s0+$0x8850];
	s1 =	sadd.s32 $0x80, s1;
	[tilespmem:s31+$0x8870] =	vst v5;
	s31 =	smov.u32 s0  }
0x6c: {  	s0 =	sand.u32 $0x3000, s6;
	s12 =	sand.u32 $0x380, s1;
	v3 =	vsel vm1, $0x0, v3;
	v5 =	vld [tilespmem:s31+$0x8870]  }
.Ltmp2:
0x6d: {  	s0 =	sor.u32 s12, s0;
	[tilespmem:s31+$0x8000] =	vst v3;
	v2 =	vsel vm2, $0x0, v2;
	(pc) =	sbr.rel @p1 .LBB2_7-.Ltmp2, $4  }
0x6e: {  	v3 =	vld [tilespmem:s0+$0x8000];
	[tilespmem:s31+$0x8070] =	vst v2;
	v4 =	vnsel vm0, $0x0, v4  }
0x6f: {  	v2 =	vld [tilespmem:s0+$0x8070];
	[tilespmem:s31+$0x8800] =	vst v4;
	v1 =	vsel vm3, $0x0, v1  }
0x70: {  	v4 =	vld [tilespmem:s0+$0x8800];
	[tilespmem:s31+$0x8840] =	vst v1;
	v6 =	vsel vm4, $0x0, v6  }
0x71: {  	s6 =	sadd.s32 $0x200, s6;
	v1 =	vld [tilespmem:s0+$0x8840];
	[tilespmem:s31+$0x8850] =	vst v6;
	v5 =	vsel vm2, $0x0, v5  }
0x72: {  	v6 =	vld [tilespmem:s0+$0x8850];
	vm1 =	veq.s32 v0, $0x8;
	[tilespmem:s31+$0x8870] =	vst v5  }
0x73: {  	vm2 =	veq.s32 v0, $0xB;
	v3 =	vsel vm1, $0x0, v3;
	v5 =	vld [tilespmem:s0+$0x8870]  }
0x74: {  	[tilespmem:s0+$0x8000] =	vst v3;
	v2 =	vsel vm2, $0x0, v2  }
0x75: {  	vm3 =	veq.s32 v0, $0x6;
	[tilespmem:s0+$0x8070] =	vst v2;
	v2 =	vnsel vm0, $0x0, v4  }
0x76: {  	vm4 =	veq.s32 v0, $0x2;
	[tilespmem:s0+$0x8800] =	vst v2;
	v1 =	vsel vm3, $0x0, v1  }
0x77: {  	[tilespmem:s0+$0x8840] =	vst v1;
	v1 =	vsel vm4, $0x0, v6  }
0x78: {  	[tilespmem:s0+$0x8850] =	vst v1;
	v1 =	vsel vm2, $0x0, v5  }
0x79: {  	s1 =	sadd.s32 s3, s29;
	[tilespmem:s0+$0x8870] =	vst v1  }
0x7a: {  	[hbm4b:s1+s4] =	stream.linear.scatter [tilespmem:s15], [sflag:$0x7], $0x4000, $0x38;
	[tilespmem:$0x10000] =	vst v63  }
0x7b: {  	_ =	swait.ge [sflag:s21], $0x4000  }
0x7c: {  	s6 =	simm.s32 @!p0 $0x4000;
	[sflag:s21] =	ssyncset.done $0x0  }
0x7d: {  	s0 =	sadd.s32 @!p0 s28, s11;
	s1 =	simm.s32 @!p0 $0x0;
	[sflag:s21] =	ssyncadd.s32 $0xFFFFC000  }
0x7e: {  	[tilespmem:s6], [sflag:$0x2] =	stream.linear.gather @!p0 [hbm4b:s0+s1], $0x4000, $0x38;
	[tilespmem:$0x10000] =	vst v63  }
0x7f: {  	s6 =	simm.s32 $0x0;
	_ =	swait.ge [sflag:s22], $0x4000  }
0x80: {  	s12 =	sand.u32 $0x3000, s6;
	s0 =	sand.u32 $0x380, s6;
	[sflag:s22] =	ssyncset.done $0x0  }
0x81: {  	s28 =	sor.u32 s0, s12;
	[sflag:s22] =	ssyncadd.s32 $0xFFFFC000  }
0x82: {  	v1 =	vld [tilespmem:s28+$0xC000]  }
0x83: {  	v2 =	vld [tilespmem:s28+$0xC070]  }
0x84: {  	v4 =	vld [tilespmem:s28+$0xC840]  }
0x85: {  	v5 =	vld [tilespmem:s28+$0xC800];
	_ =	sdelay $0x1  }
0x86: {  	s29 =	simm.s32 $0x200;
	s1 =	simm.s32 $0x80;
	v6 =	vld [tilespmem:s28+$0xC850]  }
0x87: {  	s31 =	sand.u32 $0x380, s1;
	s0 =	sand.u32 $0x3000, s29;
	v7 =	vld [tilespmem:s28+$0xC870];
	v1 =	vsel vm1, $0x0, v1  }
0x88: {  	s0 =	sor.u32 s31, s0;
	[tilespmem:s28+$0xC000] =	vst v1;
	v1 =	vsel vm2, $0x0, v2  }
0x89: {  	v3 =	vld [tilespmem:s0+$0xC000];
	[tilespmem:s28+$0xC070] =	vst v1;
	v1 =	vsel vm3, $0x0, v4;
	v4 =	vnsel vm0, $0x0, v5  }
0x8a: {  	v2 =	vld [tilespmem:s0+$0xC070];
	[tilespmem:s28+$0xC800] =	vst v4  }
0x8b: {  	v5 =	vsel vm4, $0x0, v6;
	[tilespmem:s28+$0xC840] =	vst v1;
	v4 =	vld [tilespmem:s0+$0xC800]  }
0x8c: {  	s6 =	simm.s32 $0x400;
	v1 =	vld [tilespmem:s0+$0xC840];
	[tilespmem:s28+$0xC850] =	vst v5;
	v5 =	vsel vm2, $0x0, v7  }
.LBB2_9:
0x8d: {  	p0 =	sne.s32 s6, $0x3E00;
	v6 =	vld [tilespmem:s0+$0xC850];
	s1 =	sadd.s32 $0x80, s1;
	[tilespmem:s28+$0xC870] =	vst v5;
	s28 =	smov.u32 s0  }
0x8e: {  	s0 =	sand.u32 $0x3000, s6;
	s12 =	sand.u32 $0x380, s1;
	v3 =	vsel vm1, $0x0, v3;
	v5 =	vld [tilespmem:s28+$0xC870]  }
.Ltmp3:
0x8f: {  	s0 =	sor.u32 s12, s0;
	[tilespmem:s28+$0xC000] =	vst v3;
	v2 =	vsel vm2, $0x0, v2;
	(pc) =	sbr.rel @p0 .LBB2_9-.Ltmp3, $4  }
0x90: {  	v3 =	vld [tilespmem:s0+$0xC000];
	[tilespmem:s28+$0xC070] =	vst v2;
	v4 =	vnsel vm0, $0x0, v4  }
0x91: {  	v2 =	vld [tilespmem:s0+$0xC070];
	[tilespmem:s28+$0xC800] =	vst v4;
	v1 =	vsel vm3, $0x0, v1  }
0x92: {  	v4 =	vld [tilespmem:s0+$0xC800];
	[tilespmem:s28+$0xC840] =	vst v1;
	v6 =	vsel vm4, $0x0, v6  }
0x93: {  	s6 =	sadd.s32 $0x200, s6;
	v1 =	vld [tilespmem:s0+$0xC840];
	[tilespmem:s28+$0xC850] =	vst v6;
	v5 =	vsel vm2, $0x0, v5  }
0x94: {  	v6 =	vld [tilespmem:s0+$0xC850];
	vm1 =	veq.s32 v0, $0x8;
	[tilespmem:s28+$0xC870] =	vst v5  }
0x95: {  	v3 =	vsel vm1, $0x0, v3;
	vm1 =	veq.s32 v0, $0xB;
	v5 =	vld [tilespmem:s0+$0xC870]  }
0x96: {  	s26 =	sadd.s32 $0x1, s26;
	[tilespmem:s0+$0xC000] =	vst v3;
	v2 =	vsel vm1, $0x0, v2  }
0x97: {  	vm2 =	veq.s32 v0, $0x6;
	p0 =	sne.s32 s26, $0x10;
	[tilespmem:s0+$0xC070] =	vst v2;
	v2 =	vnsel vm0, $0x0, v4  }
.Ltmp4:
0x98: {  	[tilespmem:s0+$0xC800] =	vst v2;
	v1 =	vsel vm2, $0x0, v1;
	vm2 =	veq.s32 v0, $0x2;
	(pc) =	sbr.rel @p0 .LBB2_2-.Ltmp4, $4  }
0x99: {  	[tilespmem:s0+$0xC840] =	vst v1;
	v1 =	vsel vm2, $0x0, v6  }
0x9a: {  	[tilespmem:s0+$0xC850] =	vst v1;
	v1 =	vsel vm1, $0x0, v5  }
0x9b: {  	s31 =	sadd.s32 s3, s30;
	[tilespmem:s0+$0xC870] =	vst v1  }
0x9c: {  	[hbm4b:s31+s4] =	stream.linear.scatter [tilespmem:s17], [sflag:$0x8], $0x4000, $0x38;
	[tilespmem:$0x10000] =	vst v63  }
0x9d: {  	_ =	swait.ge [sflag:s23], $0x4000  }
0x9e: {  	[sflag:s23] =	ssyncset.done $0x0  }
0x9f: {  	[sflag:s23] =	ssyncadd.s32 $0xFFFFC000  }
0xa0: {  	_ =	swait.ge [sflag:s24], $0x4000  }
0xa1: {  	s25 =	sadd.s32 $0x1, s25;
	s0 =	rddreg [dreg:$0x4]  }
0xa2: {  	p0 =	sne.s32 s25, s0  }
.Ltmp5:
0xa3: {  	_ = 	snop;
	(pc) =	sbr.rel @p0 .LBB2_1-.Ltmp5, $3  }
0xa4: {  	_ =	sdelay $0x1  }
0xa5: {  	[sflag:s24] =	ssyncset.done $0x0  }
0xa6: {  	[sflag:s24] =	ssyncadd.s32 $0xFFFFC000  }
0xa7: {  	_ =	sfence.sel $0x180000  }
0xa8: {  	[bflag:$0x0] =	sbarrier.arrive $0xFFFF  }
0xa9: {  	_ =	strace $0x90000047  }
0xaa: {  	s0 =	stileid.u32;
	[bflag:$0x2] =	sbarrier.arrive $0xFFFF  }
0xab: {  	p0 =	sne.s32 s0, $0x0;
	s0 =	rddreg [dreg:$0x2]  }
0xac: {  	s0 =	sadd.s32 @!p0 $0x100000, s0  }
0xad: {  	[sflag:s0] =	ssyncadd.tile.s32 @!p0 $0x1;
	_ =	shalt  }
.Lfunc_end2:
_tile_overlayer_lowered:
.L_overlay_start_2:
0xae: {  	(tag) =	ssettag $0x2  }
0xaf: {  	s0 =	rddreg [dreg:$0x0];
	s2 =	stileid.u32  }
0xb0: {  	s1 =	rddreg [dreg:$0x1];
	p0 =	sne.s32 s2, $0x0  }
0xb1: {  	s3 =	rddreg [dreg:$0x2];
	[bflag:$0x3] =	sbarrier.arrive $0xFFFF;
	s2 =	simm.s32 @!p0 $0x1C09  }
0xb2: {  	[timem:s3], [sflag:s2] =	dma.local @!p0 [hbm:s0], s1  }
0xb3: {  	s0 =	simm.s32 @!p0 $0x9  }
0xb4: {  	_ =	swait.ge @!p0 [sflag:s0], s1  }
0xb5: {  	s1 =	ssub.s32 @!p0 $0x0, s1;
	[sflag:s0] =	ssyncset.done @!p0 $0x0  }
0xb6: {  	[sflag:s0] =	ssyncadd.s32 @!p0 s1  }
0xb7: {  	[bflag:$0x3] =	sbarrier.arrive $0xFFFF  }
0xb8: {  	_ =	shalt  }

</sc_bundles>
